<compile_context>
chip_gen: v7x
topology: tpu7x:2x2x1
jax: 0.10.2.dev20260603
libtpu: 0.0.44.dev20260713+nightly
codegen_flags: <defaults>
</compile_context>

<pallas_src>
import functools

import jax
import jax.numpy as jnp
from jax import lax
from jax.experimental import pallas as pl
from jax.experimental.pallas import tpu as pltpu
from jax.experimental.pallas import tpu_sc as plsc

_B, _T, _D, _K = 16, 1024, 256, 8192
_N = _B * _T
_BM = 512
_NB = _N // _BM
_TB = _T // _BM


def _prep_body(cw_ref, cn_ref, cwb_ref, cwt_ref):
    cw = cw_ref[...]
    cn_ref[...] = jnp.sum(cw ** 2, axis=0, keepdims=True)
    cwb_ref[...] = cw.astype(jnp.bfloat16)
    cwt_ref[...] = cw.T


_prep_call = pl.pallas_call(
    _prep_body,
    out_shape=[
        jax.ShapeDtypeStruct((1, _K), jnp.float32),
        jax.ShapeDtypeStruct((_D, _K), jnp.bfloat16),
        jax.ShapeDtypeStruct((_K, _D), jnp.float32),
    ],
)


def _dist_argmin_body(len_ref, x_ref, cwb_ref, cn_ref, idx_ref, diff_ref,
                      acc_ref):
    rb = pl.program_id(0)
    x = x_ref[...]
    xm2 = (-2.0 * x).astype(jnp.bfloat16)
    x_norm = jnp.sum(x ** 2, axis=1, keepdims=True)

    rt = lambda t: t.astype(jnp.bfloat16).astype(jnp.float32)
    acc_v = acc_x = acc_i = None
    for lo in (0, 2816, 5632):
        hi = min(lo + 2816, _K)
        ndot = jnp.dot(xm2, cwb_ref[:, lo:hi],
                       preferred_element_type=jnp.float32)
        seg = (x_norm + ndot) + cn_ref[:, lo:hi]
        v = jnp.min(seg, axis=1, keepdims=True)
        i = jnp.argmin(seg, axis=1) + lo
        if acc_v is None:
            acc_v, acc_x, acc_i = v, v, i
        else:
            acc_c = rt(acc_v)
            take = v < acc_c
            acc_i = jnp.where(take[:, 0], i, acc_i)
            acc_x = jnp.where(take, v, acc_x)
            acc_v = jnp.where(take, rt(v), acc_c)
    mind = acc_x
    idx_ref[...] = acc_i.reshape(1, 1, _BM)

    b = rb // _TB
    t0 = (rb % _TB) * _BM
    lb = len_ref[b]
    tpos = t0 + lax.broadcasted_iota(jnp.int32, (_BM, 1), 0)
    contrib = jnp.sum(jnp.where(tpos < lb, mind, 0.0))

    @pl.when(rb == 0)
    def _init():
        acc_ref[0] = 0.0

    acc_ref[0] += contrib

    @pl.when(rb == _NB - 1)
    def _fin():
        total = len_ref[0]
        for i in range(1, _B):
            total += len_ref[i]
        denom = jnp.maximum(total.astype(jnp.float32) * float(_D), 1.0)
        diff_ref[0] = acc_ref[0] / denom


_tc_call = pl.pallas_call(
    _dist_argmin_body,
    grid=(_NB,),
    in_specs=[
        pl.BlockSpec(memory_space=pltpu.SMEM),
        pl.BlockSpec((_BM, _D), lambda rb: (rb, 0)),
        pl.BlockSpec((_D, _K), lambda rb: (0, 0)),
        pl.BlockSpec((1, _K), lambda rb: (0, 0)),
    ],
    out_specs=[
        pl.BlockSpec((1, 1, _BM), lambda rb: (rb, 0, 0)),
        pl.BlockSpec(memory_space=pltpu.SMEM),
    ],
    out_shape=[
        jax.ShapeDtypeStruct((_NB, 1, _BM), jnp.int32),
        jax.ShapeDtypeStruct((1,), jnp.float32),
    ],
    scratch_shapes=[pltpu.SMEM((1,), jnp.float32)],
    compiler_params=pltpu.CompilerParams(dimension_semantics=("arbitrary",)),
)


_NC, _NS = 2, 16
_NW = _NC * _NS
_BPW = _N // _NW
_CH = 128
_NCHUNK = _BPW // _CH


@functools.lru_cache(maxsize=None)
def _get_sc_gather():
    mesh = plsc.VectorSubcoreMesh(core_axis_name="c", subcore_axis_name="s")

    @functools.partial(
        pl.kernel,
        mesh=mesh,
        out_type=jax.ShapeDtypeStruct((_N, _D), jnp.float32),
        scratch_types=[
            pltpu.VMEM((_BPW,), jnp.int32),
            pltpu.VMEM((3, _CH, _D), jnp.float32),
            pltpu.SemaphoreType.DMA,
            pltpu.SemaphoreType.DMA,
            pltpu.SemaphoreType.DMA,
        ],
    )
    def _sc_gather(table_hbm, idx_hbm, out_hbm, idx_v, rows_v, s0, s1, s2):
        wid = lax.axis_index("s") * _NC + lax.axis_index("c")
        base = wid * _BPW
        sems = (s0, s1, s2)
        pltpu.sync_copy(idx_hbm.at[pl.ds(base, _BPW)], idx_v)

        def start(c):
            return pltpu.async_copy(
                table_hbm.at[idx_v.at[pl.ds(c * _CH, _CH)]],
                rows_v.at[c % 3], sems[c % 3])

        copies = [start(c) for c in range(min(3, _NCHUNK))]
        for c in range(_NCHUNK):
            copies[c].wait()
            pltpu.sync_copy(rows_v.at[c % 3],
                            out_hbm.at[pl.ds(base + c * _CH, _CH)])
            if c + 3 < _NCHUNK:
                copies.append(start(c + 3))

    return _sc_gather


def kernel(embedding, length, codewords):
    x = embedding.reshape(_N, _D)
    cn, cwb, cwt = _prep_call(codewords)
    idx3, diff1 = _tc_call(length, x, cwb, cn)
    idx_flat = idx3.reshape(_N)
    quantize = _get_sc_gather()(cwt, idx_flat)
    return (quantize.reshape(_B, _T, _D), diff1[0],
            idx_flat.reshape(_B, _T))

# --- scband reference (transcript-rebuilt; emitter-appended) ---
"""Pipeline reference for scband-kmeans-quantizer-86749749445194 (READ-ONLY COPY).

The authoritative reference and input builder live on the scoring server;
editing this copy changes nothing except your own understanding.
"""

import jax, jax.numpy as jnp
import numpy as np

B, T, D, K = 16, 1024, 256, 8192

def setup_inputs(seed: int = 0) -> dict:
    key = jax.random.key(seed)
    k1, k2, k3 = jax.random.split(key, 3)
    embedding = jax.random.normal(k1, (B, T, D), dtype=jnp.float32)
    length = jax.random.randint(k2, (B,), 0, T).astype(jnp.int32)
    # codewords: learned kmeans cluster centers, stored transposed as [D, K]
    codewords = jax.random.normal(k3, (D, K), dtype=jnp.float32)
    return {"embedding": embedding, "length": length, "codewords": codewords}

def reference(embedding, length, codewords):
    # Quantize forward (vq-vae style) with codebook self.codewords [D, K]
    flatten = embedding.reshape(-1, D)
    dist = (jnp.sum(flatten ** 2, axis=1, keepdims=True)
            - 2.0 * (flatten @ codewords)
            + jnp.sum(codewords ** 2, axis=0, keepdims=True))
    embed_ind = jnp.argmin(dist, axis=1)
    quantize = jnp.take(codewords.T, embed_ind, axis=0).reshape(embedding.shape)
    # mask out padded positions using `length`
    mask = (jnp.arange(T)[None, :] < length[:, None]).astype(jnp.float32)[:, :, None]
    denom = jnp.maximum(jnp.sum(mask) * D, 1.0)
    diff = jnp.sum(mask * (jax.lax.stop_gradient(quantize) - embedding) ** 2) / denom
    # straight-through estimator
    quantize_st = embedding + jax.lax.stop_gradient(quantize - embedding)
    indices = embed_ind.reshape(B, T)
    # output_dict fields: quantizer_outputs[0], quantizer_diffs[0], quantizer_indices[0]
    return quantize_st, diff, indices

if __name__ == "__main__":
    import jax
    _d = setup_inputs()
    print(jax.jit(kernel)(*tuple(_d.values())))

</pallas_src>

<mosaic_0001>
#map = affine_map<(d0, d1) -> (0, 0)>
#map1 = affine_map<(d0, d1) -> (0)>
module attributes {stable_mosaic.version = 14 : i64} {
  func.func @_sc_gather(%arg0: i32, %arg1: i32, %arg2: memref<8192x256xf32, #tpu.memory_space<hbm>>, %arg3: memref<16384xi32, #tpu.memory_space<hbm>>, %arg4: memref<16384x256xf32, #tpu.memory_space<hbm>>, %arg5: memref<512xi32, #tpu.memory_space<vmem>>, %arg6: memref<3x128x256xf32, #tpu.memory_space<vmem>>, %arg7: memref<!tpu.dma_semaphore, #tpu.memory_space<semaphore_mem>>, %arg8: memref<!tpu.dma_semaphore, #tpu.memory_space<semaphore_mem>>, %arg9: memref<!tpu.dma_semaphore, #tpu.memory_space<semaphore_mem>>) attributes {dimension_semantics = [#tpu.dimension_semantics<core_parallel>, #tpu.dimension_semantics<subcore_parallel>], iteration_bounds = array<i64: 2, 16>, scalar_prefetch = 0 : i64, scratch_operands = 5 : i64, tpu.core_type = #tpu.core_type<sc_vector_subcore>, window_params = [{transform_indices = #map}, {transform_indices = #map1}, {transform_indices = #map}]} {
    %mul3A = arith.constant 2 : i32
    %mul3A_0 = arith.muli %arg1, %mul3A : i32
    %add3A = arith.addi %mul3A_0, %arg0 : i32
    %mul3A_1 = arith.constant 512 : i32
    %mul3A_2 = arith.muli %add3A, %mul3A_1 : i32
    "tpu.region"() ({
      %run_scoped3A_92 = tpu.sem_alloc : memref<!tpu.dma_semaphore, #tpu.memory_space<semaphore_mem>>
      %dma_start3A_93 = tpu.memref_slice %arg3[%mul3A_2] : memref<16384xi32, #tpu.memory_space<hbm>> -> memref<512xi32, #tpu.memory_space<hbm>>
      %dma_start3A_94 = tpu.memref_slice %arg3[%mul3A_2] : memref<16384xi32, #tpu.memory_space<hbm>> -> memref<512xi32, #tpu.memory_space<hbm>>
      tpu.enqueue_dma source(%dma_start3A_94 : memref<512xi32, #tpu.memory_space<hbm>>) target(%arg5 : memref<512xi32, #tpu.memory_space<vmem>>) target_semaphore(%run_scoped3A_92 : memref<!tpu.dma_semaphore, #tpu.memory_space<semaphore_mem>>)
      %dma_wait3A_95 = tpu.memref_slice %arg3[%mul3A_2] : memref<16384xi32, #tpu.memory_space<hbm>> -> memref<512xi32, #tpu.memory_space<hbm>>
      %dma_wait3A_96 = tpu.memref_slice %arg3[%mul3A_2] : memref<16384xi32, #tpu.memory_space<hbm>> -> memref<512xi32, #tpu.memory_space<hbm>>
      tpu.wait_dma2 semaphore(%run_scoped3A_92 : memref<!tpu.dma_semaphore, #tpu.memory_space<semaphore_mem>>) src(%dma_wait3A_96 : memref<512xi32, #tpu.memory_space<hbm>>) dst(%arg5 : memref<512xi32, #tpu.memory_space<vmem>>)
      tpu.yield
    }) : () -> ()
    %dma_start3A = arith.constant 0 : i32
    %dma_start3A_3 = arith.constant 0 : i32
    %dma_start3A_4 = arith.constant 0 : i32
    %dma_start3A_5 = tpu.memref_slice %arg6[%dma_start3A, %dma_start3A_3, %dma_start3A_4] : memref<3x128x256xf32, #tpu.memory_space<vmem>> -> memref<1x128x256xf32, #tpu.memory_space<vmem>>
    %dma_start3A_6 = tpu.memref_squeeze %dma_start3A_5 : memref<1x128x256xf32, #tpu.memory_space<vmem>> -> memref<128x256xf32, #tpu.memory_space<vmem>>
    %dma_start3A_7 = arith.constant 0 : i32
    %dma_start3A_8 = tpu.memref_slice %arg5[%dma_start3A_7] : memref<512xi32, #tpu.memory_space<vmem>> -> memref<128xi32, #tpu.memory_space<vmem>>
    %dma_start3A_9 = arith.constant 0 : i32
    %dma_start3A_10 = arith.constant 0 : i32
    %dma_start3A_11 = tpu.memref_slice %arg2[%dma_start3A_9, %dma_start3A_10] : memref<8192x256xf32, #tpu.memory_space<hbm>> -> memref<8192x256xf32, #tpu.memory_space<hbm>>
    tpu.enqueue_indirect_dma source(%dma_start3A_11 : memref<8192x256xf32, #tpu.memory_space<hbm>>) target(%dma_start3A_6 : memref<128x256xf32, #tpu.memory_space<vmem>>) offsets(%dma_start3A_8 : memref<128xi32, #tpu.memory_space<vmem>>) semaphore(%arg7 : memref<!tpu.dma_semaphore, #tpu.memory_space<semaphore_mem>>)
    %dma_start3A_12 = arith.constant 1 : i32
    %dma_start3A_13 = arith.constant 0 : i32
    %dma_start3A_14 = arith.constant 0 : i32
    %dma_start3A_15 = tpu.memref_slice %arg6[%dma_start3A_12, %dma_start3A_13, %dma_start3A_14] : memref<3x128x256xf32, #tpu.memory_space<vmem>> -> memref<1x128x256xf32, #tpu.memory_space<vmem>>
    %dma_start3A_16 = tpu.memref_squeeze %dma_start3A_15 : memref<1x128x256xf32, #tpu.memory_space<vmem>> -> memref<128x256xf32, #tpu.memory_space<vmem>>
    %dma_start3A_17 = arith.constant 128 : i32
    %dma_start3A_18 = tpu.memref_slice %arg5[%dma_start3A_17] : memref<512xi32, #tpu.memory_space<vmem>> -> memref<128xi32, #tpu.memory_space<vmem>>
    %dma_start3A_19 = arith.constant 0 : i32
    %dma_start3A_20 = arith.constant 0 : i32
    %dma_start3A_21 = tpu.memref_slice %arg2[%dma_start3A_19, %dma_start3A_20] : memref<8192x256xf32, #tpu.memory_space<hbm>> -> memref<8192x256xf32, #tpu.memory_space<hbm>>
    tpu.enqueue_indirect_dma source(%dma_start3A_21 : memref<8192x256xf32, #tpu.memory_space<hbm>>) target(%dma_start3A_16 : memref<128x256xf32, #tpu.memory_space<vmem>>) offsets(%dma_start3A_18 : memref<128xi32, #tpu.memory_space<vmem>>) semaphore(%arg8 : memref<!tpu.dma_semaphore, #tpu.memory_space<semaphore_mem>>)
    %dma_start3A_22 = arith.constant 2 : i32
    %dma_start3A_23 = arith.constant 0 : i32
    %dma_start3A_24 = arith.constant 0 : i32
    %dma_start3A_25 = tpu.memref_slice %arg6[%dma_start3A_22, %dma_start3A_23, %dma_start3A_24] : memref<3x128x256xf32, #tpu.memory_space<vmem>> -> memref<1x128x256xf32, #tpu.memory_space<vmem>>
    %dma_start3A_26 = tpu.memref_squeeze %dma_start3A_25 : memref<1x128x256xf32, #tpu.memory_space<vmem>> -> memref<128x256xf32, #tpu.memory_space<vmem>>
    %dma_start3A_27 = arith.constant 256 : i32
    %dma_start3A_28 = tpu.memref_slice %arg5[%dma_start3A_27] : memref<512xi32, #tpu.memory_space<vmem>> -> memref<128xi32, #tpu.memory_space<vmem>>
    %dma_start3A_29 = arith.constant 0 : i32
    %dma_start3A_30 = arith.constant 0 : i32
    %dma_start3A_31 = tpu.memref_slice %arg2[%dma_start3A_29, %dma_start3A_30] : memref<8192x256xf32, #tpu.memory_space<hbm>> -> memref<8192x256xf32, #tpu.memory_space<hbm>>
    tpu.enqueue_indirect_dma source(%dma_start3A_31 : memref<8192x256xf32, #tpu.memory_space<hbm>>) target(%dma_start3A_26 : memref<128x256xf32, #tpu.memory_space<vmem>>) offsets(%dma_start3A_28 : memref<128xi32, #tpu.memory_space<vmem>>) semaphore(%arg9 : memref<!tpu.dma_semaphore, #tpu.memory_space<semaphore_mem>>)
    %dma_wait3A = arith.constant 0 : i32
    %dma_wait3A_32 = arith.constant 0 : i32
    %dma_wait3A_33 = arith.constant 0 : i32
    %dma_wait3A_34 = tpu.memref_slice %arg6[%dma_wait3A, %dma_wait3A_32, %dma_wait3A_33] : memref<3x128x256xf32, #tpu.memory_space<vmem>> -> memref<1x128x256xf32, #tpu.memory_space<vmem>>
    %dma_wait3A_35 = tpu.memref_squeeze %dma_wait3A_34 : memref<1x128x256xf32, #tpu.memory_space<vmem>> -> memref<128x256xf32, #tpu.memory_space<vmem>>
    %dma_wait3A_36 = arith.constant 0 : i32
    %dma_wait3A_37 = tpu.memref_slice %arg5[%dma_wait3A_36] : memref<512xi32, #tpu.memory_space<vmem>> -> memref<128xi32, #tpu.memory_space<vmem>>
    %dma_wait3A_38 = arith.constant 0 : i32
    %dma_wait3A_39 = arith.constant 0 : i32
    %dma_wait3A_40 = tpu.memref_slice %arg2[%dma_wait3A_38, %dma_wait3A_39] : memref<8192x256xf32, #tpu.memory_space<hbm>> -> memref<8192x256xf32, #tpu.memory_space<hbm>>
    tpu.wait_indirect_dma semaphore(%arg7 : memref<!tpu.dma_semaphore, #tpu.memory_space<semaphore_mem>>) src(%dma_wait3A_40 : memref<8192x256xf32, #tpu.memory_space<hbm>>) dst(%dma_wait3A_35 : memref<128x256xf32, #tpu.memory_space<vmem>>)
    %add3A_41 = arith.constant 0 : i32
    %add3A_42 = arith.addi %mul3A_2, %add3A_41 : i32
    %run_scoped3A = arith.constant 0 : i32
    "tpu.region"() ({
      %run_scoped3A_92 = tpu.sem_alloc : memref<!tpu.dma_semaphore, #tpu.memory_space<semaphore_mem>>
      %dma_start3A_93 = arith.constant 0 : i32
      %dma_start3A_94 = arith.constant 0 : i32
      %dma_start3A_95 = tpu.memref_slice %arg6[%run_scoped3A, %dma_start3A_93, %dma_start3A_94] : memref<3x128x256xf32, #tpu.memory_space<vmem>> -> memref<1x128x256xf32, #tpu.memory_space<vmem>>
      %dma_start3A_96 = tpu.memref_squeeze %dma_start3A_95 : memref<1x128x256xf32, #tpu.memory_space<vmem>> -> memref<128x256xf32, #tpu.memory_space<vmem>>
      %dma_start3A_97 = arith.constant 0 : i32
      %dma_start3A_98 = tpu.memref_slice %arg4[%add3A_42, %dma_start3A_97] : memref<16384x256xf32, #tpu.memory_space<hbm>> -> memref<128x256xf32, #tpu.memory_space<hbm>>
      %dma_start3A_99 = arith.constant 0 : i32
      %dma_start3A_100 = tpu.memref_slice %arg4[%add3A_42, %dma_start3A_99] : memref<16384x256xf32, #tpu.memory_space<hbm>> -> memref<128x256xf32, #tpu.memory_space<hbm>>
      %dma_start3A_101 = arith.constant 0 : i32
      %dma_start3A_102 = arith.constant 0 : i32
      %dma_start3A_103 = tpu.memref_slice %arg6[%run_scoped3A, %dma_start3A_101, %dma_start3A_102] : memref<3x128x256xf32, #tpu.memory_space<vmem>> -> memref<1x128x256xf32, #tpu.memory_space<vmem>>
      %dma_start3A_104 = tpu.memref_squeeze %dma_start3A_103 : memref<1x128x256xf32, #tpu.memory_space<vmem>> -> memref<128x256xf32, #tpu.memory_space<vmem>>
      tpu.enqueue_dma source(%dma_start3A_104 : memref<128x256xf32, #tpu.memory_space<vmem>>) target(%dma_start3A_100 : memref<128x256xf32, #tpu.memory_space<hbm>>) target_semaphore(%run_scoped3A_92 : memref<!tpu.dma_semaphore, #tpu.memory_space<semaphore_mem>>)
      %dma_wait3A_105 = arith.constant 0 : i32
      %dma_wait3A_106 = arith.constant 0 : i32
      %dma_wait3A_107 = tpu.memref_slice %arg6[%run_scoped3A, %dma_wait3A_105, %dma_wait3A_106] : memref<3x128x256xf32, #tpu.memory_space<vmem>> -> memref<1x128x256xf32, #tpu.memory_space<vmem>>
      %dma_wait3A_108 = tpu.memref_squeeze %dma_wait3A_107 : memref<1x128x256xf32, #tpu.memory_space<vmem>> -> memref<128x256xf32, #tpu.memory_space<vmem>>
      %dma_wait3A_109 = arith.constant 0 : i32
      %dma_wait3A_110 = tpu.memref_slice %arg4[%add3A_42, %dma_wait3A_109] : memref<16384x256xf32, #tpu.memory_space<hbm>> -> memref<128x256xf32, #tpu.memory_space<hbm>>
      %dma_wait3A_111 = arith.constant 0 : i32
      %dma_wait3A_112 = tpu.memref_slice %arg4[%add3A_42, %dma_wait3A_111] : memref<16384x256xf32, #tpu.memory_space<hbm>> -> memref<128x256xf32, #tpu.memory_space<hbm>>
      %dma_wait3A_113 = arith.constant 0 : i32
      %dma_wait3A_114 = arith.constant 0 : i32
      %dma_wait3A_115 = tpu.memref_slice %arg6[%run_scoped3A, %dma_wait3A_113, %dma_wait3A_114] : memref<3x128x256xf32, #tpu.memory_space<vmem>> -> memref<1x128x256xf32, #tpu.memory_space<vmem>>
      %dma_wait3A_116 = tpu.memref_squeeze %dma_wait3A_115 : memref<1x128x256xf32, #tpu.memory_space<vmem>> -> memref<128x256xf32, #tpu.memory_space<vmem>>
      tpu.wait_dma2 semaphore(%run_scoped3A_92 : memref<!tpu.dma_semaphore, #tpu.memory_space<semaphore_mem>>) src(%dma_wait3A_116 : memref<128x256xf32, #tpu.memory_space<vmem>>) dst(%dma_wait3A_112 : memref<128x256xf32, #tpu.memory_space<hbm>>)
      tpu.yield
    }) : () -> ()
    %dma_start3A_43 = arith.constant 0 : i32
    %dma_start3A_44 = arith.constant 0 : i32
    %dma_start3A_45 = arith.constant 0 : i32
    %dma_start3A_46 = tpu.memref_slice %arg6[%dma_start3A_43, %dma_start3A_44, %dma_start3A_45] : memref<3x128x256xf32, #tpu.memory_space<vmem>> -> memref<1x128x256xf32, #tpu.memory_space<vmem>>
    %dma_start3A_47 = tpu.memref_squeeze %dma_start3A_46 : memref<1x128x256xf32, #tpu.memory_space<vmem>> -> memref<128x256xf32, #tpu.memory_space<vmem>>
    %dma_start3A_48 = arith.constant 384 : i32
    %dma_start3A_49 = tpu.memref_slice %arg5[%dma_start3A_48] : memref<512xi32, #tpu.memory_space<vmem>> -> memref<128xi32, #tpu.memory_space<vmem>>
    %dma_start3A_50 = arith.constant 0 : i32
    %dma_start3A_51 = arith.constant 0 : i32
    %dma_start3A_52 = tpu.memref_slice %arg2[%dma_start3A_50, %dma_start3A_51] : memref<8192x256xf32, #tpu.memory_space<hbm>> -> memref<8192x256xf32, #tpu.memory_space<hbm>>
    tpu.enqueue_indirect_dma source(%dma_start3A_52 : memref<8192x256xf32, #tpu.memory_space<hbm>>) target(%dma_start3A_47 : memref<128x256xf32, #tpu.memory_space<vmem>>) offsets(%dma_start3A_49 : memref<128xi32, #tpu.memory_space<vmem>>) semaphore(%arg7 : memref<!tpu.dma_semaphore, #tpu.memory_space<semaphore_mem>>)
    %dma_wait3A_53 = arith.constant 1 : i32
    %dma_wait3A_54 = arith.constant 0 : i32
    %dma_wait3A_55 = arith.constant 0 : i32
    %dma_wait3A_56 = tpu.memref_slice %arg6[%dma_wait3A_53, %dma_wait3A_54, %dma_wait3A_55] : memref<3x128x256xf32, #tpu.memory_space<vmem>> -> memref<1x128x256xf32, #tpu.memory_space<vmem>>
    %dma_wait3A_57 = tpu.memref_squeeze %dma_wait3A_56 : memref<1x128x256xf32, #tpu.memory_space<vmem>> -> memref<128x256xf32, #tpu.memory_space<vmem>>
    %dma_wait3A_58 = arith.constant 128 : i32
    %dma_wait3A_59 = tpu.memref_slice %arg5[%dma_wait3A_58] : memref<512xi32, #tpu.memory_space<vmem>> -> memref<128xi32, #tpu.memory_space<vmem>>
    %dma_wait3A_60 = arith.constant 0 : i32
    %dma_wait3A_61 = arith.constant 0 : i32
    %dma_wait3A_62 = tpu.memref_slice %arg2[%dma_wait3A_60, %dma_wait3A_61] : memref<8192x256xf32, #tpu.memory_space<hbm>> -> memref<8192x256xf32, #tpu.memory_space<hbm>>
    tpu.wait_indirect_dma semaphore(%arg8 : memref<!tpu.dma_semaphore, #tpu.memory_space<semaphore_mem>>) src(%dma_wait3A_62 : memref<8192x256xf32, #tpu.memory_space<hbm>>) dst(%dma_wait3A_57 : memref<128x256xf32, #tpu.memory_space<vmem>>)
    %add3A_63 = arith.constant 128 : i32
    %add3A_64 = arith.addi %mul3A_2, %add3A_63 : i32
    %run_scoped3A_65 = arith.constant 1 : i32
    "tpu.region"() ({
      %run_scoped3A_92 = tpu.sem_alloc : memref<!tpu.dma_semaphore, #tpu.memory_space<semaphore_mem>>
      %dma_start3A_93 = arith.constant 0 : i32
      %dma_start3A_94 = arith.constant 0 : i32
      %dma_start3A_95 = tpu.memref_slice %arg6[%run_scoped3A_65, %dma_start3A_93, %dma_start3A_94] : memref<3x128x256xf32, #tpu.memory_space<vmem>> -> memref<1x128x256xf32, #tpu.memory_space<vmem>>
      %dma_start3A_96 = tpu.memref_squeeze %dma_start3A_95 : memref<1x128x256xf32, #tpu.memory_space<vmem>> -> memref<128x256xf32, #tpu.memory_space<vmem>>
      %dma_start3A_97 = arith.constant 0 : i32
      %dma_start3A_98 = tpu.memref_slice %arg4[%add3A_64, %dma_start3A_97] : memref<16384x256xf32, #tpu.memory_space<hbm>> -> memref<128x256xf32, #tpu.memory_space<hbm>>
      %dma_start3A_99 = arith.constant 0 : i32
      %dma_start3A_100 = tpu.memref_slice %arg4[%add3A_64, %dma_start3A_99] : memref<16384x256xf32, #tpu.memory_space<hbm>> -> memref<128x256xf32, #tpu.memory_space<hbm>>
      %dma_start3A_101 = arith.constant 0 : i32
      %dma_start3A_102 = arith.constant 0 : i32
      %dma_start3A_103 = tpu.memref_slice %arg6[%run_scoped3A_65, %dma_start3A_101, %dma_start3A_102] : memref<3x128x256xf32, #tpu.memory_space<vmem>> -> memref<1x128x256xf32, #tpu.memory_space<vmem>>
      %dma_start3A_104 = tpu.memref_squeeze %dma_start3A_103 : memref<1x128x256xf32, #tpu.memory_space<vmem>> -> memref<128x256xf32, #tpu.memory_space<vmem>>
      tpu.enqueue_dma source(%dma_start3A_104 : memref<128x256xf32, #tpu.memory_space<vmem>>) target(%dma_start3A_100 : memref<128x256xf32, #tpu.memory_space<hbm>>) target_semaphore(%run_scoped3A_92 : memref<!tpu.dma_semaphore, #tpu.memory_space<semaphore_mem>>)
      %dma_wait3A_105 = arith.constant 0 : i32
      %dma_wait3A_106 = arith.constant 0 : i32
      %dma_wait3A_107 = tpu.memref_slice %arg6[%run_scoped3A_65, %dma_wait3A_105, %dma_wait3A_106] : memref<3x128x256xf32, #tpu.memory_space<vmem>> -> memref<1x128x256xf32, #tpu.memory_space<vmem>>
      %dma_wait3A_108 = tpu.memref_squeeze %dma_wait3A_107 : memref<1x128x256xf32, #tpu.memory_space<vmem>> -> memref<128x256xf32, #tpu.memory_space<vmem>>
      %dma_wait3A_109 = arith.constant 0 : i32
      %dma_wait3A_110 = tpu.memref_slice %arg4[%add3A_64, %dma_wait3A_109] : memref<16384x256xf32, #tpu.memory_space<hbm>> -> memref<128x256xf32, #tpu.memory_space<hbm>>
      %dma_wait3A_111 = arith.constant 0 : i32
      %dma_wait3A_112 = tpu.memref_slice %arg4[%add3A_64, %dma_wait3A_111] : memref<16384x256xf32, #tpu.memory_space<hbm>> -> memref<128x256xf32, #tpu.memory_space<hbm>>
      %dma_wait3A_113 = arith.constant 0 : i32
      %dma_wait3A_114 = arith.constant 0 : i32
      %dma_wait3A_115 = tpu.memref_slice %arg6[%run_scoped3A_65, %dma_wait3A_113, %dma_wait3A_114] : memref<3x128x256xf32, #tpu.memory_space<vmem>> -> memref<1x128x256xf32, #tpu.memory_space<vmem>>
      %dma_wait3A_116 = tpu.memref_squeeze %dma_wait3A_115 : memref<1x128x256xf32, #tpu.memory_space<vmem>> -> memref<128x256xf32, #tpu.memory_space<vmem>>
      tpu.wait_dma2 semaphore(%run_scoped3A_92 : memref<!tpu.dma_semaphore, #tpu.memory_space<semaphore_mem>>) src(%dma_wait3A_116 : memref<128x256xf32, #tpu.memory_space<vmem>>) dst(%dma_wait3A_112 : memref<128x256xf32, #tpu.memory_space<hbm>>)
      tpu.yield
    }) : () -> ()
    %dma_wait3A_66 = arith.constant 2 : i32
    %dma_wait3A_67 = arith.constant 0 : i32
    %dma_wait3A_68 = arith.constant 0 : i32
    %dma_wait3A_69 = tpu.memref_slice %arg6[%dma_wait3A_66, %dma_wait3A_67, %dma_wait3A_68] : memref<3x128x256xf32, #tpu.memory_space<vmem>> -> memref<1x128x256xf32, #tpu.memory_space<vmem>>
    %dma_wait3A_70 = tpu.memref_squeeze %dma_wait3A_69 : memref<1x128x256xf32, #tpu.memory_space<vmem>> -> memref<128x256xf32, #tpu.memory_space<vmem>>
    %dma_wait3A_71 = arith.constant 256 : i32
    %dma_wait3A_72 = tpu.memref_slice %arg5[%dma_wait3A_71] : memref<512xi32, #tpu.memory_space<vmem>> -> memref<128xi32, #tpu.memory_space<vmem>>
    %dma_wait3A_73 = arith.constant 0 : i32
    %dma_wait3A_74 = arith.constant 0 : i32
    %dma_wait3A_75 = tpu.memref_slice %arg2[%dma_wait3A_73, %dma_wait3A_74] : memref<8192x256xf32, #tpu.memory_space<hbm>> -> memref<8192x256xf32, #tpu.memory_space<hbm>>
    tpu.wait_indirect_dma semaphore(%arg9 : memref<!tpu.dma_semaphore, #tpu.memory_space<semaphore_mem>>) src(%dma_wait3A_75 : memref<8192x256xf32, #tpu.memory_space<hbm>>) dst(%dma_wait3A_70 : memref<128x256xf32, #tpu.memory_space<vmem>>)
    %add3A_76 = arith.constant 256 : i32
    %add3A_77 = arith.addi %mul3A_2, %add3A_76 : i32
    %run_scoped3A_78 = arith.constant 2 : i32
    "tpu.region"() ({
      %run_scoped3A_92 = tpu.sem_alloc : memref<!tpu.dma_semaphore, #tpu.memory_space<semaphore_mem>>
      %dma_start3A_93 = arith.constant 0 : i32
      %dma_start3A_94 = arith.constant 0 : i32
      %dma_start3A_95 = tpu.memref_slice %arg6[%run_scoped3A_78, %dma_start3A_93, %dma_start3A_94] : memref<3x128x256xf32, #tpu.memory_space<vmem>> -> memref<1x128x256xf32, #tpu.memory_space<vmem>>
      %dma_start3A_96 = tpu.memref_squeeze %dma_start3A_95 : memref<1x128x256xf32, #tpu.memory_space<vmem>> -> memref<128x256xf32, #tpu.memory_space<vmem>>
      %dma_start3A_97 = arith.constant 0 : i32
      %dma_start3A_98 = tpu.memref_slice %arg4[%add3A_77, %dma_start3A_97] : memref<16384x256xf32, #tpu.memory_space<hbm>> -> memref<128x256xf32, #tpu.memory_space<hbm>>
      %dma_start3A_99 = arith.constant 0 : i32
      %dma_start3A_100 = tpu.memref_slice %arg4[%add3A_77, %dma_start3A_99] : memref<16384x256xf32, #tpu.memory_space<hbm>> -> memref<128x256xf32, #tpu.memory_space<hbm>>
      %dma_start3A_101 = arith.constant 0 : i32
      %dma_start3A_102 = arith.constant 0 : i32
      %dma_start3A_103 = tpu.memref_slice %arg6[%run_scoped3A_78, %dma_start3A_101, %dma_start3A_102] : memref<3x128x256xf32, #tpu.memory_space<vmem>> -> memref<1x128x256xf32, #tpu.memory_space<vmem>>
      %dma_start3A_104 = tpu.memref_squeeze %dma_start3A_103 : memref<1x128x256xf32, #tpu.memory_space<vmem>> -> memref<128x256xf32, #tpu.memory_space<vmem>>
      tpu.enqueue_dma source(%dma_start3A_104 : memref<128x256xf32, #tpu.memory_space<vmem>>) target(%dma_start3A_100 : memref<128x256xf32, #tpu.memory_space<hbm>>) target_semaphore(%run_scoped3A_92 : memref<!tpu.dma_semaphore, #tpu.memory_space<semaphore_mem>>)
      %dma_wait3A_105 = arith.constant 0 : i32
      %dma_wait3A_106 = arith.constant 0 : i32
      %dma_wait3A_107 = tpu.memref_slice %arg6[%run_scoped3A_78, %dma_wait3A_105, %dma_wait3A_106] : memref<3x128x256xf32, #tpu.memory_space<vmem>> -> memref<1x128x256xf32, #tpu.memory_space<vmem>>
      %dma_wait3A_108 = tpu.memref_squeeze %dma_wait3A_107 : memref<1x128x256xf32, #tpu.memory_space<vmem>> -> memref<128x256xf32, #tpu.memory_space<vmem>>
      %dma_wait3A_109 = arith.constant 0 : i32
      %dma_wait3A_110 = tpu.memref_slice %arg4[%add3A_77, %dma_wait3A_109] : memref<16384x256xf32, #tpu.memory_space<hbm>> -> memref<128x256xf32, #tpu.memory_space<hbm>>
      %dma_wait3A_111 = arith.constant 0 : i32
      %dma_wait3A_112 = tpu.memref_slice %arg4[%add3A_77, %dma_wait3A_111] : memref<16384x256xf32, #tpu.memory_space<hbm>> -> memref<128x256xf32, #tpu.memory_space<hbm>>
      %dma_wait3A_113 = arith.constant 0 : i32
      %dma_wait3A_114 = arith.constant 0 : i32
      %dma_wait3A_115 = tpu.memref_slice %arg6[%run_scoped3A_78, %dma_wait3A_113, %dma_wait3A_114] : memref<3x128x256xf32, #tpu.memory_space<vmem>> -> memref<1x128x256xf32, #tpu.memory_space<vmem>>
      %dma_wait3A_116 = tpu.memref_squeeze %dma_wait3A_115 : memref<1x128x256xf32, #tpu.memory_space<vmem>> -> memref<128x256xf32, #tpu.memory_space<vmem>>
      tpu.wait_dma2 semaphore(%run_scoped3A_92 : memref<!tpu.dma_semaphore, #tpu.memory_space<semaphore_mem>>) src(%dma_wait3A_116 : memref<128x256xf32, #tpu.memory_space<vmem>>) dst(%dma_wait3A_112 : memref<128x256xf32, #tpu.memory_space<hbm>>)
      tpu.yield
    }) : () -> ()
    %dma_wait3A_79 = arith.constant 0 : i32
    %dma_wait3A_80 = arith.constant 0 : i32
    %dma_wait3A_81 = arith.constant 0 : i32
    %dma_wait3A_82 = tpu.memref_slice %arg6[%dma_wait3A_79, %dma_wait3A_80, %dma_wait3A_81] : memref<3x128x256xf32, #tpu.memory_space<vmem>> -> memref<1x128x256xf32, #tpu.memory_space<vmem>>
    %dma_wait3A_83 = tpu.memref_squeeze %dma_wait3A_82 : memref<1x128x256xf32, #tpu.memory_space<vmem>> -> memref<128x256xf32, #tpu.memory_space<vmem>>
    %dma_wait3A_84 = arith.constant 384 : i32
    %dma_wait3A_85 = tpu.memref_slice %arg5[%dma_wait3A_84] : memref<512xi32, #tpu.memory_space<vmem>> -> memref<128xi32, #tpu.memory_space<vmem>>
    %dma_wait3A_86 = arith.constant 0 : i32
    %dma_wait3A_87 = arith.constant 0 : i32
    %dma_wait3A_88 = tpu.memref_slice %arg2[%dma_wait3A_86, %dma_wait3A_87] : memref<8192x256xf32, #tpu.memory_space<hbm>> -> memref<8192x256xf32, #tpu.memory_space<hbm>>
    tpu.wait_indirect_dma semaphore(%arg7 : memref<!tpu.dma_semaphore, #tpu.memory_space<semaphore_mem>>) src(%dma_wait3A_88 : memref<8192x256xf32, #tpu.memory_space<hbm>>) dst(%dma_wait3A_83 : memref<128x256xf32, #tpu.memory_space<vmem>>)
    %add3A_89 = arith.constant 384 : i32
    %add3A_90 = arith.addi %mul3A_2, %add3A_89 : i32
    %run_scoped3A_91 = arith.constant 0 : i32
    "tpu.region"() ({
      %run_scoped3A_92 = tpu.sem_alloc : memref<!tpu.dma_semaphore, #tpu.memory_space<semaphore_mem>>
      %dma_start3A_93 = arith.constant 0 : i32
      %dma_start3A_94 = arith.constant 0 : i32
      %dma_start3A_95 = tpu.memref_slice %arg6[%run_scoped3A_91, %dma_start3A_93, %dma_start3A_94] : memref<3x128x256xf32, #tpu.memory_space<vmem>> -> memref<1x128x256xf32, #tpu.memory_space<vmem>>
      %dma_start3A_96 = tpu.memref_squeeze %dma_start3A_95 : memref<1x128x256xf32, #tpu.memory_space<vmem>> -> memref<128x256xf32, #tpu.memory_space<vmem>>
      %dma_start3A_97 = arith.constant 0 : i32
      %dma_start3A_98 = tpu.memref_slice %arg4[%add3A_90, %dma_start3A_97] : memref<16384x256xf32, #tpu.memory_space<hbm>> -> memref<128x256xf32, #tpu.memory_space<hbm>>
      %dma_start3A_99 = arith.constant 0 : i32
      %dma_start3A_100 = tpu.memref_slice %arg4[%add3A_90, %dma_start3A_99] : memref<16384x256xf32, #tpu.memory_space<hbm>> -> memref<128x256xf32, #tpu.memory_space<hbm>>
      %dma_start3A_101 = arith.constant 0 : i32
      %dma_start3A_102 = arith.constant 0 : i32
      %dma_start3A_103 = tpu.memref_slice %arg6[%run_scoped3A_91, %dma_start3A_101, %dma_start3A_102] : memref<3x128x256xf32, #tpu.memory_space<vmem>> -> memref<1x128x256xf32, #tpu.memory_space<vmem>>
      %dma_start3A_104 = tpu.memref_squeeze %dma_start3A_103 : memref<1x128x256xf32, #tpu.memory_space<vmem>> -> memref<128x256xf32, #tpu.memory_space<vmem>>
      tpu.enqueue_dma source(%dma_start3A_104 : memref<128x256xf32, #tpu.memory_space<vmem>>) target(%dma_start3A_100 : memref<128x256xf32, #tpu.memory_space<hbm>>) target_semaphore(%run_scoped3A_92 : memref<!tpu.dma_semaphore, #tpu.memory_space<semaphore_mem>>)
      %dma_wait3A_105 = arith.constant 0 : i32
      %dma_wait3A_106 = arith.constant 0 : i32
      %dma_wait3A_107 = tpu.memref_slice %arg6[%run_scoped3A_91, %dma_wait3A_105, %dma_wait3A_106] : memref<3x128x256xf32, #tpu.memory_space<vmem>> -> memref<1x128x256xf32, #tpu.memory_space<vmem>>
      %dma_wait3A_108 = tpu.memref_squeeze %dma_wait3A_107 : memref<1x128x256xf32, #tpu.memory_space<vmem>> -> memref<128x256xf32, #tpu.memory_space<vmem>>
      %dma_wait3A_109 = arith.constant 0 : i32
      %dma_wait3A_110 = tpu.memref_slice %arg4[%add3A_90, %dma_wait3A_109] : memref<16384x256xf32, #tpu.memory_space<hbm>> -> memref<128x256xf32, #tpu.memory_space<hbm>>
      %dma_wait3A_111 = arith.constant 0 : i32
      %dma_wait3A_112 = tpu.memref_slice %arg4[%add3A_90, %dma_wait3A_111] : memref<16384x256xf32, #tpu.memory_space<hbm>> -> memref<128x256xf32, #tpu.memory_space<hbm>>
      %dma_wait3A_113 = arith.constant 0 : i32
      %dma_wait3A_114 = arith.constant 0 : i32
      %dma_wait3A_115 = tpu.memref_slice %arg6[%run_scoped3A_91, %dma_wait3A_113, %dma_wait3A_114] : memref<3x128x256xf32, #tpu.memory_space<vmem>> -> memref<1x128x256xf32, #tpu.memory_space<vmem>>
      %dma_wait3A_116 = tpu.memref_squeeze %dma_wait3A_115 : memref<1x128x256xf32, #tpu.memory_space<vmem>> -> memref<128x256xf32, #tpu.memory_space<vmem>>
      tpu.wait_dma2 semaphore(%run_scoped3A_92 : memref<!tpu.dma_semaphore, #tpu.memory_space<semaphore_mem>>) src(%dma_wait3A_116 : memref<128x256xf32, #tpu.memory_space<vmem>>) dst(%dma_wait3A_112 : memref<128x256xf32, #tpu.memory_space<hbm>>)
      tpu.yield
    }) : () -> ()
    return
  }
}

module attributes {stable_mosaic.version = 14 : i64} {
  func.func @_dist_argmin_body(%arg0: i32, %arg1: memref<16xi32, #tpu.memory_space<smem>>, %arg2: memref<512x256xf32, #tpu.memory_space<vmem>>, %arg3: memref<256x8192xbf16, #tpu.memory_space<vmem>>, %arg4: memref<1x8192xf32, #tpu.memory_space<vmem>>, %arg5: memref<1x1x512xi32, #tpu.memory_space<vmem>>, %arg6: memref<1xf32, #tpu.memory_space<smem>>, %arg7: memref<1xf32, #tpu.memory_space<smem>>) attributes {dimension_semantics = [#tpu.dimension_semantics<arbitrary>], iteration_bounds = array<i64: 32>, scalar_prefetch = 0 : i64, scratch_operands = 1 : i64, tpu.core_type = #tpu.core_type<tc>, window_params = [{transform_indices = @transform_0, window_bounds = array<i64: 16>}, {transform_indices = @transform_1, window_bounds = array<i64: 512, 256>}, {pipeline_mode = #tpu.pipeline_mode<synchronous>, transform_indices = @transform_2, window_bounds = array<i64: 256, 8192>}, {pipeline_mode = #tpu.pipeline_mode<synchronous>, transform_indices = @transform_3, window_bounds = array<i64: 1, 8192>}, {transform_indices = @transform_4, window_bounds = array<i64: 1, 1, 512>}, {transform_indices = @transform_5, window_bounds = array<i64: 1>}]} {
    %get3A = arith.constant 0 : index
    %get3A_0 = arith.constant 0 : index
    %get3A_1 = vector.load %arg2[%get3A, %get3A_0] : memref<512x256xf32, #tpu.memory_space<vmem>>, vector<512x256xf32>
    %mul3A = arith.constant -2.000000e+00 : f32
    %mul3A_2 = vector.broadcast %mul3A : f32 to vector<512x256xf32>
    %mul3A_3 = arith.mulf %mul3A_2, %get3A_1 : vector<512x256xf32>
    %convert_element_type3A = arith.truncf %mul3A_3 : vector<512x256xf32> to vector<512x256xbf16>
    %integer_pow3A = arith.mulf %get3A_1, %get3A_1 : vector<512x256xf32>
    %reduce_sum3A = arith.constant dense<0.000000e+00> : vector<512xf32>
    %reduce_sum3A_4 = vector.multi_reduction <add>, %integer_pow3A, %reduce_sum3A [1] : vector<512x256xf32> to vector<512xf32>
    %broadcast_in_dim3A = vector.shape_cast %reduce_sum3A_4 : vector<512xf32> to vector<512x1xf32>
    %get3A_5 = arith.constant 0 : index
    %get3A_6 = arith.constant 0 : index
    %get3A_7 = vector.load %arg3[%get3A_5, %get3A_6] : memref<256x8192xbf16, #tpu.memory_space<vmem>>, vector<256x2816xbf16>
    %dot_general3A = arith.constant dense<0.000000e+00> : vector<512x2816xf32>
    %dot_general3A_8 = tpu.matmul %convert_element_type3A, %get3A_7, %dot_general3A {dimension_numbers = #tpu.dot_dimension_numbers<[1], [0], [0], [1], [0, 0, 1, 1], [], []>, transpose_lhs_hint = false} : vector<512x256xbf16>, vector<256x2816xbf16>, vector<512x2816xf32> -> vector<512x2816xf32>
    %add3A = vector.broadcast %broadcast_in_dim3A : vector<512x1xf32> to vector<512x2816xf32>
    %add3A_9 = arith.addf %add3A, %dot_general3A_8 : vector<512x2816xf32>
    %get3A_10 = arith.constant 0 : index
    %get3A_11 = arith.constant 0 : index
    %get3A_12 = vector.load %arg4[%get3A_10, %get3A_11] : memref<1x8192xf32, #tpu.memory_space<vmem>>, vector<1x2816xf32>
    %add3A_13 = vector.broadcast %get3A_12 : vector<1x2816xf32> to vector<512x2816xf32>
    %add3A_14 = arith.addf %add3A_9, %add3A_13 : vector<512x2816xf32>
    %reduce_min3A = arith.constant dense<0x7F800000> : vector<512xf32>
    %reduce_min3A_15 = vector.multi_reduction <minimumf>, %add3A_14, %reduce_min3A [1] : vector<512x2816xf32> to vector<512xf32>
    %broadcast_in_dim3A_16 = vector.shape_cast %reduce_min3A_15 : vector<512xf32> to vector<512x1xf32>
    %argmin3A = tpu.reduce_index %add3A_14 {axis = 1 : i32, kind = #tpu.reduction_kind<arg_min>} : vector<512x2816xf32> -> vector<512xi32>
    %add3A_17 = arith.constant 0 : i32
    %add3A_18 = vector.broadcast %add3A_17 : i32 to vector<512xi32>
    %add3A_19 = arith.addi %argmin3A, %add3A_18 : vector<512xi32>
    %get3A_20 = arith.constant 0 : index
    %get3A_21 = arith.constant 2816 : index
    %get3A_22 = vector.load %arg3[%get3A_20, %get3A_21] : memref<256x8192xbf16, #tpu.memory_space<vmem>>, vector<256x2816xbf16>
    %dot_general3A_23 = arith.constant dense<0.000000e+00> : vector<512x2816xf32>
    %dot_general3A_24 = tpu.matmul %convert_element_type3A, %get3A_22, %dot_general3A_23 {dimension_numbers = #tpu.dot_dimension_numbers<[1], [0], [0], [1], [0, 0, 1, 1], [], []>, transpose_lhs_hint = false} : vector<512x256xbf16>, vector<256x2816xbf16>, vector<512x2816xf32> -> vector<512x2816xf32>
    %add3A_25 = vector.broadcast %broadcast_in_dim3A : vector<512x1xf32> to vector<512x2816xf32>
    %add3A_26 = arith.addf %add3A_25, %dot_general3A_24 : vector<512x2816xf32>
    %get3A_27 = arith.constant 0 : index
    %get3A_28 = arith.constant 2816 : index
    %get3A_29 = vector.load %arg4[%get3A_27, %get3A_28] : memref<1x8192xf32, #tpu.memory_space<vmem>>, vector<1x2816xf32>
    %add3A_30 = vector.broadcast %get3A_29 : vector<1x2816xf32> to vector<512x2816xf32>
    %add3A_31 = arith.addf %add3A_26, %add3A_30 : vector<512x2816xf32>
    %reduce_min3A_32 = arith.constant dense<0x7F800000> : vector<512xf32>
    %reduce_min3A_33 = vector.multi_reduction <minimumf>, %add3A_31, %reduce_min3A_32 [1] : vector<512x2816xf32> to vector<512xf32>
    %broadcast_in_dim3A_34 = vector.shape_cast %reduce_min3A_33 : vector<512xf32> to vector<512x1xf32>
    %argmin3A_35 = tpu.reduce_index %add3A_31 {axis = 1 : i32, kind = #tpu.reduction_kind<arg_min>} : vector<512x2816xf32> -> vector<512xi32>
    %add3A_36 = arith.constant 2816 : i32
    %add3A_37 = vector.broadcast %add3A_36 : i32 to vector<512xi32>
    %add3A_38 = arith.addi %argmin3A_35, %add3A_37 : vector<512xi32>
    %convert_element_type3A_39 = arith.truncf %broadcast_in_dim3A_16 : vector<512x1xf32> to vector<512x1xbf16>
    %convert_element_type3A_40 = arith.extf %convert_element_type3A_39 : vector<512x1xbf16> to vector<512x1xf32>
    %lt3A = arith.cmpf olt, %broadcast_in_dim3A_34, %convert_element_type3A_40 : vector<512x1xf32>
    %squeeze3A = vector.shape_cast %lt3A : vector<512x1xi1> to vector<512xi1>
    %select_n3A = arith.select %squeeze3A, %add3A_38, %add3A_19 : vector<512xi1>, vector<512xi32>
    %select_n3A_41 = arith.select %lt3A, %broadcast_in_dim3A_34, %broadcast_in_dim3A_16 : vector<512x1xi1>, vector<512x1xf32>
    %convert_element_type3A_42 = arith.truncf %broadcast_in_dim3A_34 : vector<512x1xf32> to vector<512x1xbf16>
    %convert_element_type3A_43 = arith.extf %convert_element_type3A_42 : vector<512x1xbf16> to vector<512x1xf32>
    %select_n3A_44 = arith.select %lt3A, %convert_element_type3A_43, %convert_element_type3A_40 : vector<512x1xi1>, vector<512x1xf32>
    %get3A_45 = arith.constant 0 : index
    %get3A_46 = arith.constant 5632 : index
    %get3A_47 = vector.load %arg3[%get3A_45, %get3A_46] : memref<256x8192xbf16, #tpu.memory_space<vmem>>, vector<256x2560xbf16>
    %dot_general3A_48 = arith.constant dense<0.000000e+00> : vector<512x2560xf32>
    %dot_general3A_49 = tpu.matmul %convert_element_type3A, %get3A_47, %dot_general3A_48 {dimension_numbers = #tpu.dot_dimension_numbers<[1], [0], [0], [1], [0, 0, 1, 1], [], []>, transpose_lhs_hint = false} : vector<512x256xbf16>, vector<256x2560xbf16>, vector<512x2560xf32> -> vector<512x2560xf32>
    %add3A_50 = vector.broadcast %broadcast_in_dim3A : vector<512x1xf32> to vector<512x2560xf32>
    %add3A_51 = arith.addf %add3A_50, %dot_general3A_49 : vector<512x2560xf32>
    %get3A_52 = arith.constant 0 : index
    %get3A_53 = arith.constant 5632 : index
    %get3A_54 = vector.load %arg4[%get3A_52, %get3A_53] : memref<1x8192xf32, #tpu.memory_space<vmem>>, vector<1x2560xf32>
    %add3A_55 = vector.broadcast %get3A_54 : vector<1x2560xf32> to vector<512x2560xf32>
    %add3A_56 = arith.addf %add3A_51, %add3A_55 : vector<512x2560xf32>
    %reduce_min3A_57 = arith.constant dense<0x7F800000> : vector<512xf32>
    %reduce_min3A_58 = vector.multi_reduction <minimumf>, %add3A_56, %reduce_min3A_57 [1] : vector<512x2560xf32> to vector<512xf32>
    %broadcast_in_dim3A_59 = vector.shape_cast %reduce_min3A_58 : vector<512xf32> to vector<512x1xf32>
    %argmin3A_60 = tpu.reduce_index %add3A_56 {axis = 1 : i32, kind = #tpu.reduction_kind<arg_min>} : vector<512x2560xf32> -> vector<512xi32>
    %add3A_61 = arith.constant 5632 : i32
    %add3A_62 = vector.broadcast %add3A_61 : i32 to vector<512xi32>
    %add3A_63 = arith.addi %argmin3A_60, %add3A_62 : vector<512xi32>
    %convert_element_type3A_64 = arith.truncf %select_n3A_44 : vector<512x1xf32> to vector<512x1xbf16>
    %convert_element_type3A_65 = arith.extf %convert_element_type3A_64 : vector<512x1xbf16> to vector<512x1xf32>
    %lt3A_66 = arith.cmpf olt, %broadcast_in_dim3A_59, %convert_element_type3A_65 : vector<512x1xf32>
    %squeeze3A_67 = vector.shape_cast %lt3A_66 : vector<512x1xi1> to vector<512xi1>
    %select_n3A_68 = arith.select %squeeze3A_67, %add3A_63, %select_n3A : vector<512xi1>, vector<512xi32>
    %select_n3A_69 = arith.select %lt3A_66, %broadcast_in_dim3A_59, %select_n3A_41 : vector<512x1xi1>, vector<512x1xf32>
    %reshape3A = vector.shape_cast %select_n3A_68 : vector<512xi32> to vector<1x1x512xi32>
    %swap3A = arith.constant 0 : index
    %swap3A_70 = arith.constant 0 : index
    %swap3A_71 = arith.constant 0 : index
    %swap3A_72 = vector.load %arg5[%swap3A, %swap3A_70, %swap3A_71] : memref<1x1x512xi32, #tpu.memory_space<vmem>>, vector<1x1x512xi32>
    tpu.vector_store %arg5[%swap3A, %swap3A_70, %swap3A_71], %reshape3A {strides = array<i32>} : memref<1x1x512xi32, #tpu.memory_space<vmem>>, vector<1x1x512xi32>,
    %jit3A = arith.constant 2 : i32
    %div3A = arith.divsi %arg0, %jit3A : i32
    %sign3A = arith.constant 0 : i32
    %sign3A_73 = arith.cmpi sgt, %arg0, %sign3A : i32
    %sign3A_74 = arith.extui %sign3A_73 : i1 to i32
    %sign3A_75 = arith.constant 0 : i32
    %sign3A_76 = arith.cmpi slt, %arg0, %sign3A_75 : i32
    %sign3A_77 = arith.extui %sign3A_76 : i1 to i32
    %sign3A_78 = arith.subi %sign3A_74, %sign3A_77 : i32
    %sign3A_79 = arith.constant 0 : i32
    %sign3A_80 = arith.cmpi sgt, %jit3A, %sign3A_79 : i32
    %sign3A_81 = arith.extui %sign3A_80 : i1 to i32
    %sign3A_82 = arith.constant 0 : i32
    %sign3A_83 = arith.cmpi slt, %jit3A, %sign3A_82 : i32
    %sign3A_84 = arith.extui %sign3A_83 : i1 to i32
    %sign3A_85 = arith.subi %sign3A_81, %sign3A_84 : i32
    %ne3A = arith.cmpi ne, %sign3A_78, %sign3A_85 : i32
    %rem3A = arith.remsi %arg0, %jit3A : i32
    %ne3A_86 = arith.constant 0 : i32
    %ne3A_87 = arith.cmpi ne, %rem3A, %ne3A_86 : i32
    %and3A = arith.andi %ne3A, %ne3A_87 : i1
    %sub3A = arith.constant 1 : i32
    %sub3A_88 = arith.subi %div3A, %sub3A : i32
    %select_n3A_89 = arith.select %and3A, %sub3A_88, %div3A : i32
    %jit3A_90 = arith.constant 2 : i32
    %eq3A = arith.constant 0 : i32
    %eq3A_91 = arith.cmpi eq, %jit3A_90, %eq3A : i32
    %jit3A_92 = arith.constant 1 : i32
    %select_n3A_93 = arith.select %eq3A_91, %jit3A_92, %jit3A_90 : i32
    %rem3A_94 = arith.remsi %arg0, %select_n3A_93 : i32
    %ne3A_95 = arith.constant 0 : i32
    %ne3A_96 = arith.cmpi ne, %rem3A_94, %ne3A_95 : i32
    %lt3A_97 = arith.constant 0 : i32
    %lt3A_98 = arith.cmpi slt, %rem3A_94, %lt3A_97 : i32
    %lt3A_99 = arith.constant 0 : i32
    %lt3A_100 = arith.cmpi slt, %select_n3A_93, %lt3A_99 : i32
    %ne3A_101 = arith.xori %lt3A_98, %lt3A_100 : i1
    %and3A_102 = arith.andi %ne3A_101, %ne3A_96 : i1
    %add3A_103 = arith.addi %rem3A_94, %select_n3A_93 : i32
    %select_n3A_104 = arith.select %and3A_102, %add3A_103, %rem3A_94 : i32
    %mul3A_105 = arith.constant 512 : i32
    %mul3A_106 = arith.muli %select_n3A_104, %mul3A_105 : i32
    %get3A_107 = arith.index_cast %select_n3A_89 : i32 to index
    %get3A_108 = memref.load %arg1[%get3A_107] : memref<16xi32, #tpu.memory_space<smem>>
    %iota3A = tpu.iota {dimensions = array<i32: 0>} : vector<512x1xi32>
    %add3A_109 = vector.broadcast %mul3A_106 : i32 to vector<512x1xi32>
    %add3A_110 = arith.addi %add3A_109, %iota3A : vector<512x1xi32>
    %lt3A_111 = vector.broadcast %get3A_108 : i32 to vector<512x1xi32>
    %lt3A_112 = arith.cmpi slt, %add3A_110, %lt3A_111 : vector<512x1xi32>
    %jit3A_113 = arith.constant 0.000000e+00 : f32
    %broadcast_in_dim3A_114 = vector.broadcast %jit3A_113 : f32 to vector<512x1xf32>
    %select_n3A_115 = arith.select %lt3A_112, %select_n3A_69, %broadcast_in_dim3A_114 : vector<512x1xi1>, vector<512x1xf32>
    %reduce_sum3A_116 = vector.shape_cast %select_n3A_115 : vector<512x1xf32> to vector<1x512x1xf32>
    %reduce_sum3A_117 = arith.constant dense<0.000000e+00> : vector<1xf32>
    %reduce_sum3A_118 = vector.multi_reduction <add>, %reduce_sum3A_116, %reduce_sum3A_117 [1, 2] : vector<1x512x1xf32> to vector<1xf32>
    %reduce_sum3A_119 = vector.shape_cast %reduce_sum3A_118 : vector<1xf32> to vector<1x1x1xf32>
    %reduce_sum3A_120 = vector.extract %reduce_sum3A_119[0, 0, 0] : f32 from vector<1x1x1xf32>
    %eq3A_121 = arith.constant 0 : i32
    %eq3A_122 = arith.cmpi eq, %arg0, %eq3A_121 : i32
    %convert_element_type3A_123 = arith.extui %eq3A_122 : i1 to i32
    %cond3A = arith.constant 0 : i32
    %cond3A_124 = arith.cmpi ne, %convert_element_type3A_123, %cond3A : i32
    scf.if %cond3A_124 {
      %swap3A_135 = arith.constant 0.000000e+00 : f32
      %swap3A_136 = arith.constant 0 : index
      %swap3A_137 = memref.load %arg7[%swap3A_136] : memref<1xf32, #tpu.memory_space<smem>>
      memref.store %swap3A_135, %arg7[%swap3A_136] : memref<1xf32, #tpu.memory_space<smem>>
    } else {
    }
    %get3A_125 = arith.constant 0 : index
    %get3A_126 = memref.load %arg7[%get3A_125] : memref<1xf32, #tpu.memory_space<smem>>
    %add3A_127 = arith.addf %get3A_126, %reduce_sum3A_120 : f32
    %swap3A_128 = arith.constant 0 : index
    %swap3A_129 = memref.load %arg7[%swap3A_128] : memref<1xf32, #tpu.memory_space<smem>>
    memref.store %add3A_127, %arg7[%swap3A_128] : memref<1xf32, #tpu.memory_space<smem>>
    %eq3A_130 = arith.constant 31 : i32
    %eq3A_131 = arith.cmpi eq, %arg0, %eq3A_130 : i32
    %convert_element_type3A_132 = arith.extui %eq3A_131 : i1 to i32
    %cond3A_133 = arith.constant 0 : i32
    %cond3A_134 = arith.cmpi ne, %convert_element_type3A_132, %cond3A_133 : i32
    scf.if %cond3A_134 {
      %get3A_135 = arith.constant 0 : index
      %get3A_136 = memref.load %arg1[%get3A_135] : memref<16xi32, #tpu.memory_space<smem>>
      %get3A_137 = arith.constant 1 : index
      %get3A_138 = memref.load %arg1[%get3A_137] : memref<16xi32, #tpu.memory_space<smem>>
      %add3A_139 = arith.addi %get3A_136, %get3A_138 : i32
      %get3A_140 = arith.constant 2 : index
      %get3A_141 = memref.load %arg1[%get3A_140] : memref<16xi32, #tpu.memory_space<smem>>
      %add3A_142 = arith.addi %add3A_139, %get3A_141 : i32
      %get3A_143 = arith.constant 3 : index
      %get3A_144 = memref.load %arg1[%get3A_143] : memref<16xi32, #tpu.memory_space<smem>>
      %add3A_145 = arith.addi %add3A_142, %get3A_144 : i32
      %get3A_146 = arith.constant 4 : index
      %get3A_147 = memref.load %arg1[%get3A_146] : memref<16xi32, #tpu.memory_space<smem>>
      %add3A_148 = arith.addi %add3A_145, %get3A_147 : i32
      %get3A_149 = arith.constant 5 : index
      %get3A_150 = memref.load %arg1[%get3A_149] : memref<16xi32, #tpu.memory_space<smem>>
      %add3A_151 = arith.addi %add3A_148, %get3A_150 : i32
      %get3A_152 = arith.constant 6 : index
      %get3A_153 = memref.load %arg1[%get3A_152] : memref<16xi32, #tpu.memory_space<smem>>
      %add3A_154 = arith.addi %add3A_151, %get3A_153 : i32
      %get3A_155 = arith.constant 7 : index
      %get3A_156 = memref.load %arg1[%get3A_155] : memref<16xi32, #tpu.memory_space<smem>>
      %add3A_157 = arith.addi %add3A_154, %get3A_156 : i32
      %get3A_158 = arith.constant 8 : index
      %get3A_159 = memref.load %arg1[%get3A_158] : memref<16xi32, #tpu.memory_space<smem>>
      %add3A_160 = arith.addi %add3A_157, %get3A_159 : i32
      %get3A_161 = arith.constant 9 : index
      %get3A_162 = memref.load %arg1[%get3A_161] : memref<16xi32, #tpu.memory_space<smem>>
      %add3A_163 = arith.addi %add3A_160, %get3A_162 : i32
      %get3A_164 = arith.constant 10 : index
      %get3A_165 = memref.load %arg1[%get3A_164] : memref<16xi32, #tpu.memory_space<smem>>
      %add3A_166 = arith.addi %add3A_163, %get3A_165 : i32
      %get3A_167 = arith.constant 11 : index
      %get3A_168 = memref.load %arg1[%get3A_167] : memref<16xi32, #tpu.memory_space<smem>>
      %add3A_169 = arith.addi %add3A_166, %get3A_168 : i32
      %get3A_170 = arith.constant 12 : index
      %get3A_171 = memref.load %arg1[%get3A_170] : memref<16xi32, #tpu.memory_space<smem>>
      %add3A_172 = arith.addi %add3A_169, %get3A_171 : i32
      %get3A_173 = arith.constant 13 : index
      %get3A_174 = memref.load %arg1[%get3A_173] : memref<16xi32, #tpu.memory_space<smem>>
      %add3A_175 = arith.addi %add3A_172, %get3A_174 : i32
      %get3A_176 = arith.constant 14 : index
      %get3A_177 = memref.load %arg1[%get3A_176] : memref<16xi32, #tpu.memory_space<smem>>
      %add3A_178 = arith.addi %add3A_175, %get3A_177 : i32
      %get3A_179 = arith.constant 15 : index
      %get3A_180 = memref.load %arg1[%get3A_179] : memref<16xi32, #tpu.memory_space<smem>>
      %add3A_181 = arith.addi %add3A_178, %get3A_180 : i32
      %convert_element_type3A_182 = arith.sitofp %add3A_181 : i32 to f32
      %mul3A_183 = arith.constant 2.560000e+02 : f32
      %mul3A_184 = arith.mulf %convert_element_type3A_182, %mul3A_183 : f32
      %max3A = arith.constant 1.000000e+00 : f32
      %max3A_185 = arith.maximumf %mul3A_184, %max3A : f32
      %get3A_186 = arith.constant 0 : index
      %get3A_187 = memref.load %arg7[%get3A_186] : memref<1xf32, #tpu.memory_space<smem>>
      %div3A_188 = arith.divf %get3A_187, %max3A_185 : f32
      %swap3A_189 = arith.constant 0 : index
      %swap3A_190 = memref.load %arg6[%swap3A_189] : memref<1xf32, #tpu.memory_space<smem>>
      memref.store %div3A_188, %arg6[%swap3A_189] : memref<1xf32, #tpu.memory_space<smem>>
    } else {
    }
    return
  }
  func.func @transform_0(%arg0: i32) -> i32 {
    %c0_i32 = arith.constant 0 : i32
    %c0_i32_0 = arith.constant 0 : i32
    return %c0_i32 : i32
  }
  func.func @transform_1(%arg0: i32) -> (i32, i32) {
    %c0_i32 = arith.constant 0 : i32
    %c0_i32_0 = arith.constant 0 : i32
    return %arg0, %c0_i32 : i32, i32
  }
  func.func @transform_2(%arg0: i32) -> (i32, i32) {
    %c0_i32 = arith.constant 0 : i32
    %c0_i32_0 = arith.constant 0 : i32
    %c0_i32_1 = arith.constant 0 : i32
    return %c0_i32, %c0_i32_0 : i32, i32
  }
  func.func @transform_3(%arg0: i32) -> (i32, i32) {
    %c0_i32 = arith.constant 0 : i32
    %c0_i32_0 = arith.constant 0 : i32
    %c0_i32_1 = arith.constant 0 : i32
    return %c0_i32, %c0_i32_0 : i32, i32
  }
  func.func @transform_4(%arg0: i32) -> (i32, i32, i32) {
    %c0_i32 = arith.constant 0 : i32
    %c0_i32_0 = arith.constant 0 : i32
    %c0_i32_1 = arith.constant 0 : i32
    return %arg0, %c0_i32, %c0_i32_0 : i32, i32, i32
  }
  func.func @transform_5(%arg0: i32) -> i32 {
    %c0_i32 = arith.constant 0 : i32
    %c0_i32_0 = arith.constant 0 : i32
    return %c0_i32 : i32
  }
}

module attributes {stable_mosaic.version = 14 : i64} {
  func.func @_prep_body(%arg0: memref<256x8192xf32, #tpu.memory_space<vmem>>, %arg1: memref<1x8192xf32, #tpu.memory_space<vmem>>, %arg2: memref<256x8192xbf16, #tpu.memory_space<vmem>>, %arg3: memref<8192x256xf32, #tpu.memory_space<vmem>>) attributes {dimension_semantics = [], scalar_prefetch = 0 : i64, scratch_operands = 0 : i64, tpu.core_type = #tpu.core_type<tc>} {
    %get3A = arith.constant 0 : index
    %get3A_0 = arith.constant 0 : index
    %get3A_1 = vector.load %arg0[%get3A, %get3A_0] : memref<256x8192xf32, #tpu.memory_space<vmem>>, vector<256x8192xf32>
    %integer_pow3A = arith.mulf %get3A_1, %get3A_1 : vector<256x8192xf32>
    %reduce_sum3A = arith.constant dense<0.000000e+00> : vector<8192xf32>
    %reduce_sum3A_2 = vector.multi_reduction <add>, %integer_pow3A, %reduce_sum3A [0] : vector<256x8192xf32> to vector<8192xf32>
    %broadcast_in_dim3A = vector.shape_cast %reduce_sum3A_2 : vector<8192xf32> to vector<1x8192xf32>
    %swap3A = arith.constant 0 : index
    %swap3A_3 = arith.constant 0 : index
    %swap3A_4 = vector.load %arg1[%swap3A, %swap3A_3] : memref<1x8192xf32, #tpu.memory_space<vmem>>, vector<1x8192xf32>
    tpu.vector_store %arg1[%swap3A, %swap3A_3], %broadcast_in_dim3A {strides = array<i32>} : memref<1x8192xf32, #tpu.memory_space<vmem>>, vector<1x8192xf32>,
    %convert_element_type3A = arith.truncf %get3A_1 : vector<256x8192xf32> to vector<256x8192xbf16>
    %swap3A_5 = arith.constant 0 : index
    %swap3A_6 = arith.constant 0 : index
    %swap3A_7 = vector.load %arg2[%swap3A_5, %swap3A_6] : memref<256x8192xbf16, #tpu.memory_space<vmem>>, vector<256x8192xbf16>
    tpu.vector_store %arg2[%swap3A_5, %swap3A_6], %convert_element_type3A {strides = array<i32>} : memref<256x8192xbf16, #tpu.memory_space<vmem>>, vector<256x8192xbf16>,
    %transpose3A = tpu.transpose %get3A_1, [1, 0] : vector<256x8192xf32> -> vector<8192x256xf32>
    %swap3A_8 = arith.constant 0 : index
    %swap3A_9 = arith.constant 0 : index
    %swap3A_10 = vector.load %arg3[%swap3A_8, %swap3A_9] : memref<8192x256xf32, #tpu.memory_space<vmem>>, vector<8192x256xf32>
    tpu.vector_store %arg3[%swap3A_8, %swap3A_9], %transpose3A {strides = array<i32>} : memref<8192x256xf32, #tpu.memory_space<vmem>>, vector<8192x256xf32>,
    return
  }
}

</mosaic_0001>

<sc_bundles>
// kernel: kernel.5.cloned.1.call-start
scs
__scs_entry_jumppad:
0x0: {  	(pc) =	sbr.rel $0x88, $3  }
0x1: {  	(tag) =	ssettag $0x0;
	lr =	simm.s32 $0x1  }
0x2: {  	[smem:$0x3F9E] =	sst lr;
	_ =	strace $0xD0000000  }
0x3: {  	_ = 	snop  }
0x4: {  	_ = 	snop  }
0x5: {  	_ = 	snop  }
0x6: {  	_ = 	snop  }
0x7: {  	_ = 	snop  }
__scs_overlays_trampoline_lowered:
0x8: {  	[smem:$0x3FAD] =	sst s0  }
0x9: {  	[smem:$0x3FAE] =	sst s1  }
0xa: {  	[smem:$0x3FAF] =	sst s2  }
0xb: {  	[smem:$0x3FB0] =	sst s3  }
0xc: {  	[smem:$0x3FB1] =	sst s4  }
0xd: {  	[smem:$0x3FB2] =	sst s5  }
0xe: {  	[smem:$0x3FB3] =	sst s6  }
0xf: {  	[smem:$0x3FB4] =	sst s7  }
0x10: {  	[smem:$0x3FB5] =	sst s8  }
0x11: {  	[smem:$0x3FB6] =	sst s9;
	s0 =	simm.s32 @!p0 $0x0  }
0x12: {  	s1 =	sld [smem:$0x3F9C];
	s0 =	simm.s32 @p0 $0x1  }
0x13: {  	[smem:$0x3FB7] =	sst s0;
	s0 =	simm.s32 @!p1 $0x0  }
0x14: {  	s2 =	sld [smem:$0x3F9B];
	s0 =	simm.s32 @p1 $0x1  }
0x15: {  	[smem:$0x3FB8] =	sst s0;
	s0 =	simm.s32 @!p2 $0x0  }
0x16: {  	s3 =	sld [smem:$0x3FDB];
	s0 =	simm.s32 @p2 $0x1  }
0x17: {  	s4 =	simm.s32 $0x1BF5;
	[smem:$0x3FBA] =	sst s0  }
0x18: {  	s0 =	sld [smem:$0x3F9D];
	_ =	swait.ge [sflag:s4], $0x0  }
0x19: {  	s7 =	sld [smem:$0x3F9E]  }
0x1a: {  	s8 =	sadd.s32 $0xFFFFE003, lr  }
0x1b: {  	s9 =	sadd.s32 $0xFFFFFEF7, lr;
	s5 =	simm.s32 $0xFFFFFFFF;
	p2 =	slt.u32 s8, $0xFFFFF086  }
0x1c: {  	p1 =	slt.u32 s9, $0xF7A;
	s5 =	simm.s32 @!p2 $0x0  }
0x1d: {  	s5 =	simm.s32 @p1 $0x1;
	p0 =	seq.s32 s7, s2  }
0x1e: {  	s7 =	smul.u32 @!p0 $0xF7A, s2;
	p2 =	seq.s32 @!p0 s5, $0x0  }
0x1f: {  	s9 =	smul.u32 $0xF7A, s1;
	s8 =	simm.s32 @!p0 $0x1BF5;
	p2 =	por !p2, p0  }
0x20: {  	[sflag:s8] =	ssyncset.s32 @!p0 $0xFFFFF086;
	s6 =	sadd.s32 @!p0 s3, s7;
	s7 =	simm.s32 @!p0 $0x108  }
0x21: {  	s3 =	sadd.s32 s3, s9;
	s6 =	sadd.s32 @!p0 $0x88, s6;
	s7 =	simm.s32 @p2 $0x1082  }
0x22: {  	[simem:s7], [sflag:s8] =	dma.local @!p0 [hbm:s6], $0xF7A  }
0x23: {  	s9 =	sor.u32 $0xD0000000, s2;
	s6 =	simm.s32 $0x108;
	_ =	swait.ge @!p0 [sflag:s8], $0x0  }
0x24: {  	s3 =	sadd.s32 $0x88, s3;
	s6 =	simm.s32 @!p1 $0x1082;
	[sflag:s4] =	ssyncset.s32 $0xFFFFF086  }
0x25: {  	[simem:s6], [sflag:s4] =	dma.local [hbm:s3], $0xF7A  }
0x26: {  	[smem:$0x3F9E] =	sst s1;
	(tag) =	ssettag s2;
	_ =	strace s9  }
0x27: {  	s1 =	sld [smem:$0x3FAE]  }
0x28: {  	s2 =	sld [smem:$0x3FAF]  }
0x29: {  	s4 =	sld [smem:$0x3FB1]  }
0x2a: {  	p0 =	seq.s32 s5, $0x0;
	s5 =	sld [smem:$0x3FB2]  }
0x2b: {  	s6 =	sld [smem:$0x3FB3]  }
0x2c: {  	s7 =	sld [smem:$0x3FB4]  }
0x2d: {  	s3 =	simm.s32 $0x108;
	s8 =	sld [smem:$0x3FB5]  }
0x2e: {  	s3 =	simm.s32 @!p0 $0x1082;
	s9 =	sld [smem:$0x3FB6]  }
0x2f: {  	lr =	sadd.s32 s0, s3;
	s0 =	sld [smem:$0x3FAD]  }
0x30: {  	s3 =	sld [smem:$0x3FB0]  }
0x31: {  	[smem:$0x3FB9] =	sst s10  }
0x32: {  	s10 =	sld [smem:$0x3FB7];
	_ =	sdelay $0x3  }
0x33: {  	p0 =	seq.s32 s10, $0x1;
	s10 =	sld [smem:$0x3FB9];
	_ =	sdelay $0x3  }
0x34: {  	[smem:$0x3FB9] =	sst s10  }
0x35: {  	s10 =	sld [smem:$0x3FB8];
	_ =	sdelay $0x3  }
0x36: {  	p1 =	seq.s32 s10, $0x1;
	s10 =	sld [smem:$0x3FB9];
	_ =	sdelay $0x3  }
0x37: {  	[smem:$0x3FB9] =	sst s10  }
0x38: {  	s10 =	sld [smem:$0x3FBA]  }
0x39: {  	_ = 	snop;
	(pc) =	sbr.ind lr, $3  }
0x3a: {  	_ = 	snop  }
0x3b: {  	_ = 	snop  }
0x3c: {  	p2 =	seq.s32 s10, $0x1;
	s10 =	sld [smem:$0x3FB9]  }
0x3d: {  	_ =	shalt  }
0x3e: {  	_ =	shalt  }
0x3f: {  	_ =	shalt  }
0x40: {  	_ =	shalt  }
0x41: {  	_ =	shalt  }
0x42: {  	_ =	shalt  }
0x43: {  	_ =	shalt  }
0x44: {  	_ =	shalt  }
0x45: {  	_ =	shalt  }
0x46: {  	_ =	shalt  }
0x47: {  	_ =	shalt  }
0x48: {  	_ =	shalt  }
0x49: {  	_ =	shalt  }
0x4a: {  	_ =	shalt  }
0x4b: {  	_ =	shalt  }
0x4c: {  	_ =	shalt  }
0x4d: {  	_ =	shalt  }
0x4e: {  	_ =	shalt  }
0x4f: {  	_ =	shalt  }
0x50: {  	_ =	shalt  }
0x51: {  	_ =	shalt  }
0x52: {  	_ =	shalt  }
0x53: {  	_ =	shalt  }
0x54: {  	_ =	shalt  }
0x55: {  	_ =	shalt  }
0x56: {  	_ =	shalt  }
0x57: {  	_ =	shalt  }
0x58: {  	_ =	shalt  }
0x59: {  	_ =	shalt  }
0x5a: {  	_ =	shalt  }
0x5b: {  	_ =	shalt  }
0x5c: {  	_ =	shalt  }
0x5d: {  	_ =	shalt  }
0x5e: {  	_ =	shalt  }
0x5f: {  	_ =	shalt  }
0x60: {  	_ =	shalt  }
0x61: {  	_ =	shalt  }
0x62: {  	_ =	shalt  }
0x63: {  	_ =	shalt  }
0x64: {  	_ =	shalt  }
0x65: {  	_ =	shalt  }
0x66: {  	_ =	shalt  }
0x67: {  	_ =	shalt  }
0x68: {  	_ =	shalt  }
0x69: {  	_ =	shalt  }
0x6a: {  	_ =	shalt  }
0x6b: {  	_ =	shalt  }
0x6c: {  	_ =	shalt  }
0x6d: {  	_ =	shalt  }
0x6e: {  	_ =	shalt  }
0x6f: {  	_ =	shalt  }
0x70: {  	_ =	shalt  }
0x71: {  	_ =	shalt  }
0x72: {  	_ =	shalt  }
0x73: {  	_ =	shalt  }
0x74: {  	_ =	shalt  }
0x75: {  	_ =	shalt  }
0x76: {  	_ =	shalt  }
0x77: {  	_ =	shalt  }
0x78: {  	_ =	shalt  }
0x79: {  	_ =	shalt  }
0x7a: {  	_ =	shalt  }
0x7b: {  	_ =	shalt  }
0x7c: {  	_ =	shalt  }
0x7d: {  	_ =	shalt  }
0x7e: {  	_ =	shalt  }
0x7f: {  	_ =	shalt  }
0x80: {  	_ =	shalt  }
0x81: {  	_ =	shalt  }
0x82: {  	_ =	shalt  }
0x83: {  	_ =	shalt  }
0x84: {  	_ =	shalt  }
0x85: {  	_ =	shalt  }
0x86: {  	_ =	shalt  }
0x87: {  	_ =	shalt  }
.Lfunc_end0:
.L_simem_size_0:
called_computation_lowered:
.L_overlay_start_0:
0x88: {  	s2 =	sld [smem:$0x3FD9]  }
0x89: {  	s3 =	sld [smem:$0x3FFE];
	_ =	sdelay $0x1  }
0x8a: {  	s1 =	srdreg.scid  }
0x8b: {  	s0 =	sand.u32 $0x1, s1  }
0x8c: {  	s14 =	sshll.u32 s0, $0xA;
	s2 =	sadd.s32 s3, s2  }
0x8d: {  	s2 =	sadd.s32 s2, s14  }
0x8e: {  	[smem:$0x3FC5] =	sst s2  }
0x8f: {  	_ = 	snop  }
0x90: {  	s2 =	sld [smem:$0x3FD0];
	_ =	sdelay $0x2  }
0x91: {  	s15 =	simm.s32 $0xA;
	s4 =	simm.s32 $0x10  }
0x92: {  	[smem:s4], [sflag:s15] =	dma.local [hbm:s2], $0x1  }
0x93: {  	_ =	swait.eq [sflag:s15], $0x1  }
0x94: {  	[sflag:s15] =	ssyncset.done $0x0  }
0x95: {  	[sflag:s15] =	ssyncadd.s32 $0xFFFFFFFF  }
0x96: {  	s16 =	sld [smem:$0x10];
	(tm) =	ssettm $0x1  }
0x97: {  	s17 =	sld [smem:$0x3FFB];
	_ =	sdelay $0x3  }
0x98: {  	_ =	strace s17  }
0x99: {  	s3 =	sld [smem:$0x3FFC];
	_ =	sdelay $0x3  }
0x9a: {  	_ =	strace s3  }
0x9b: {  	s3 =	sld [smem:$0x3FFD];
	_ =	sdelay $0x3  }
0x9c: {  	_ =	strace s3  }
0x9d: {  	_ =	strace $0x8FFFFFFF  }
0x9e: {  	s18 =	sld [smem:$0x3FDB];
	_ =	sdelay $0x1  }
0x9f: {  	s19 =	simm.s32 $_scs_section_size  }
0xa0: {  	s5 =	simm.s32 $_size__tile_overlayer_lowered;
	s6 =	simm.s32 $_tile_overlayer_lowered  }
0xa1: {  	s22 =	simm.s32 $0x1BFF;
	s21 =	sshll.u32 s6, $0x1;
	s3 =	sadd.s32 s19, s18  }
0xa2: {  	s7 =	simm.s32 $0x0;
	s20 =	sshll.u32 s5, $0x1;
	s5 =	sadd.s32 s21, s3  }
0xa3: {  	[timem:s7], [sflag:s22] =	dma.local [hbm:s5], s20  }
0xa4: {  	_ =	swait.ge [sflag:s22], s20  }
0xa5: {  	s4 =	ssub.s32 $0x0, s20;
	[sflag:s22] =	ssyncset.done $0x0  }
0xa6: {  	[sflag:s22] =	ssyncadd.s32 s4;
	_ =	sdelay $0x1  }
0xa7: {  	s23 =	simm.s32 $0x1B8B  }
0xa8: {  	_ =	swait.ge [sflag:s23], $0x1  }
0xa9: {  	[sflag:s23] =	ssyncset.done $0x0  }
0xaa: {  	s25 =	simm.s32 $0x1B8E;
	s24 =	sld [smem:$0x3FFE];
	[sflag:s23] =	ssyncadd.s32 $0xFFFFFFFF  }
0xab: {  	s26 =	simm.s32 $execute0_lowered;
	[smem:$0x3FD2] =	sst s25  }
0xac: {  	s5 =	sshll.u32 s26, $0x1;
	_ =	strace $0x80000046;
	[dreg:$0x1] =	wrdreg $0xFFFFFFFF  }
0xad: {  	s28 =	simm.s32 $_size_execute0_lowered;
	s3 =	sadd.s32 s3, s5;
	[dreg:$0x0] =	wrdreg $0x0  }
0xae: {  	s5 =	sshll.u32 s28, $0x1;
	[dreg:$0x2] =	wrdreg s3  }
0xaf: {  	[dreg:$0x3] =	wrdreg s5  }
0xb0: {  	[dreg:$0x4] =	wrdreg $0xC0  }
0xb1: {  	_ =	task [dreg:s7], $0x5FFFF  }
0xb2: {  	[dreg:$0x1] =	wrdreg $0xFFFFFFFF  }
0xb3: {  	[dreg:$0x0] =	wrdreg $0x60  }
0xb4: {  	[dreg:$0x2] =	wrdreg s24  }
0xb5: {  	[dreg:$0x3] =	wrdreg s16  }
0xb6: {  	[dreg:$0x4] =	wrdreg $0x9  }
0xb7: {  	_ =	task.clear_ibuf [dreg:s7], $0x5FFFF;
	_ =	strace $0x90000046  }
0xb8: {  	s29 =	simm.s32 $0x9;
	_ =	strace $0x80000048  }
0xb9: {  	_ =	swait.ge [sflag:s29], $0x1  }
0xba: {  	[sflag:s29] =	ssyncadd.s32 $0xFFFFFFFF  }
0xbb: {  	_ =	strace $0x90000048  }
0xbc: {  	_ =	sfence  }
0xbd: {  	s30 =	sld [smem:$0x0];
	_ =	sdelay $0x2  }
0xbe: {  	s31 =	sshll.u32 s1, $0xD;
	s1 =	sshrl.u32 s1, $0x2  }
0xbf: {  	s3 =	sand.u32 $0x4000, s31;
	s1 =	sadd.s32 s1, s30  }
0xc0: {  	s0 =	sor.u32 s3, s0;
	s1 =	sshll.u32 s1, $0x11  }
0xc1: {  	s0 =	sor.u32 s1, s0  }
0xc2: {  	s0 =	sadd.s32 $0x8F2B, s0  }
0xc3: {  	[sflag:s0] =	ssyncadd.remote.s32 $0x1  }
0xc4: {  	_ =	sfence.sel $0xFFFF  }
0xc5: {  	[dreg:$0x0] =	wrdreg $0xFFFFFFFF;
	(pc) =	sbr.abs _section_cstart, $3  }
0xc6: {  	[dreg:$0x1] =	wrdreg $0xFFFFFFFF  }
0xc7: {  	_ =	task.clear_ibuf [dreg:s7], $0x2FFFF;
	_ =	strace $0x9FFFFFFF  }
0xc8: {  	(tm) =	ssettm $0x7FFFFFFF  }
0xc9: {  	_ =	shalt  }
tec
execute0_lowered:
.L_overlay_start_1:
0x0: {  	(tag) =	ssettag $0x1  }
0x1: {  	s1 =	srdreg.scid  }
0x2: {  	s0 =	stileid.u32;
	s1 =	sand.u32 $0x1, s1  }
0x3: {  	s4 =	rddreg [dreg:$0x0];
	s2 =	sshll.u32 s0, $0xA;
	s3 =	sshll.u32 s1, $0x9  }
0x4: {  	s5 =	rddreg [dreg:$0x1];
	s3 =	sor.u32 s3, s2;
	s2 =	simm.s32 $0x0  }
0x5: {  	s21 =	simm.s32 $0x8A00;
	s22 =	simm.s32 $0x9200;
	[smem:$0x7FF] =	sst s2  }
0x6: {  	s23 =	simm.s32 $0x9A00;
	_ =	strace $0x80000047;
	[dreg:$0x7] =	wrdreg s21  }
0x7: {  	s24 =	simm.s32 $0xA200;
	s25 =	simm.s32 $0xAA00;
	[dreg:$0x8] =	wrdreg s22  }
0x8: {  	s7 =	simm.s32 $0xBA00;
	s8 =	simm.s32 $0xC200;
	[dreg:$0x9] =	wrdreg s23  }
0x9: {  	s9 =	simm.s32 $0xCA00;
	s10 =	simm.s32 $0xD200;
	[dreg:$0xa] =	wrdreg s24  }
0xa: {  	s11 =	simm.s32 $0xDA00;
	s0 =	simm.s32 $0xB200;
	[dreg:$0xb] =	wrdreg s25  }
0xb: {  	s12 =	simm.s32 $0xE200;
	s13 =	simm.s32 $0xEA00;
	[dreg:$0xc] =	wrdreg s0  }
0xc: {  	s14 =	simm.s32 $0xF200;
	s15 =	simm.s32 $0xFA00;
	[dreg:$0xd] =	wrdreg s7  }
0xd: {  	s16 =	simm.s32 $0x10A00;
	s17 =	simm.s32 $0x11200;
	[dreg:$0xe] =	wrdreg s8  }
0xe: {  	s18 =	simm.s32 $0x11A00;
	s28 =	simm.s32 $0x17200;
	[dreg:$0xf] =	wrdreg s9  }
0xf: {  	s29 =	simm.s32 $0x17A00;
	s30 =	simm.s32 $0x1;
	[dreg:$0x10] =	wrdreg s10  }
0x10: {  	s31 =	simm.s32 $0x2;
	s1 =	ssub.s32 $0x2, s1;
	[dreg:$0x11] =	wrdreg s11  }
0x11: {  	s26 =	sshrl.u32 s1, $0x1;
	s6 =	sshrl.u32 s3, $0x3;
	[dreg:$0x12] =	wrdreg s12  }
0x12: {  	s3 =	sshll.u32 s3, $0x5;
	s1 =	ssub.s32 s1, s26;
	[dreg:$0x13] =	wrdreg s13  }
0x13: {  	s26 =	simm.s32 $0x15A00;
	s6 =	sadd.s32 s6, s4;
	[dreg:$0x14] =	wrdreg s14  }
0x14: {  	s3 =	sadd.s32 s5, s3;
	s4 =	sadd.s32 $0x1000, s4;
	[dreg:$0x15] =	wrdreg s15  }
0x15: {  	s7 =	simm.s32 $0x200;
	s8 =	simm.s32 $0xA00;
	[dreg:$0x16] =	wrdreg s16  }
0x16: {  	s9 =	simm.s32 $0x1200;
	s10 =	simm.s32 $0x1A00;
	[dreg:$0x17] =	wrdreg s17  }
0x17: {  	s11 =	simm.s32 $0x2200;
	s12 =	simm.s32 $0x2A00;
	[dreg:$0x18] =	wrdreg s18  }
0x18: {  	s13 =	simm.s32 $0x3200;
	s21 =	simm.s32 $0x13200;
	[smem:$0x7FD] =	sst s26  }
0x19: {  	s14 =	simm.s32 $0x3A00;
	s22 =	simm.s32 $0x13A00;
	[dreg:$0x1b] =	wrdreg s21  }
0x1a: {  	s15 =	simm.s32 $0x4200;
	s23 =	simm.s32 $0x14200;
	[dreg:$0x1c] =	wrdreg s22  }
0x1b: {  	s16 =	simm.s32 $0x4A00;
	s24 =	simm.s32 $0x14A00;
	[dreg:$0x1d] =	wrdreg s23  }
0x1c: {  	s17 =	simm.s32 $0x5200;
	s25 =	simm.s32 $0x15200;
	[dreg:$0x1e] =	wrdreg s24  }
0x1d: {  	s18 =	simm.s32 $0x5A00;
	s6 =	sadd.s32 $0x41000, s6;
	[dreg:$0x1f] =	wrdreg s25  }
0x1e: {  	s26 =	simm.s32 $0x16A00;
	s5 =	sadd.s32 $0x1000, s3;
	[dreg:$0x3] =	wrdreg s6  }
0x1f: {  	s19 =	sadd.s32 $0x2000, s3;
	s20 =	sadd.s32 $0x3000, s3;
	[dreg:$0x4] =	wrdreg s5  }
0x20: {  	s21 =	simm.s32 $0x7200;
	s22 =	simm.s32 $0x7A00;
	[dreg:$0x5] =	wrdreg s19  }
0x21: {  	s23 =	simm.s32 $0x8200;
	s24 =	simm.s32 $0x10200;
	[dreg:$0x6] =	wrdreg s20  }
0x22: {  	v2 =	vlaneseq.u32;
	s5 =	smax.u32 s1, $0x1;
	s6 =	simm.s32 $0x4;
	s19 =	simm.s32 $0x12200  }
0x23: {  	vm0 =	vmmov $0xffff;
	v1 =	vshrl.u32 v2, $0x3;
	s20 =	simm.s32 $0x12A00;
	s1 =	simm.s32 $0x3;
	[dreg:$0x19] =	wrdreg s19  }
0x24: {  	v0 =	vand.u32 $0x7, v2;
	v2 =	vor.u32 $0x8, v2;
	v1 =	vmul.u32 $0x8, v1;
	[dreg:$0x1a] =	wrdreg s20;
	s19 =	simm.s32 $0x6200;
	s20 =	simm.s32 $0x6A00  }
.LBB2_1:
0x25: {  	s0 =	rddreg [dreg:$0x3]  }
0x26: {  	[tilespmem:s2], [sflag:$0x4] =	stream.linear.gather [hbm4b:s0+s2], $0x200, $0x38;
	[tilespmem:$0x18200] =	vst v63  }
0x27: {  	_ =	swait.ge [sflag:s6], $0x200  }
0x28: {  	[sflag:s6] =	ssyncset.done $0x0  }
0x29: {  	[sflag:s6] =	ssyncadd.s32 $0xFFFFFE00  }
0x2a: {  	v3 =	vld [tilespmem:$0x0];
	_ =	sdelay $0x4  }
0x2b: {  	v4 =	vshll.u32 v3, $0x1  }
0x2c: {  	v3 =	vand.u32 $0x7, v3;
	v4 =	vand.u32 $0xFFFFFFF0, v4  }
0x2d: {  	v3 =	vor.u32 v3, v4  }
0x2e: {  	v4 =	vperm.xlane v3, v0;
	_ =	sdelay $0x1  }
0x2f: {  	v3 =	vperm.xlane v3, v2;
	v4 =	vadd.s32 v1, v4;
	_ =	sdelay $0x1  }
0x30: {  	v3 =	vadd.s32 v1, v3;
	_ =	sdelay $0x2  }
0x31: {  	[tilespmem:s7], [sflag:$0x1] =	stream.indirect_vreg.gather [hbm4b:s4+s2], $0x80, v4, vm0, $0xb8;
	[tilespmem:$0x18200] =	vst v63  }
0x32: {  	_ = 	snop  }
0x33: {  	[tilespmem:s8], [sflag:$0x1] =	stream.indirect_vreg.gather [hbm4b:s4+s2], $0x80, v3, vm0, $0xb8;
	[tilespmem:$0x18200] =	vst v63  }
0x34: {  	v3 =	vld [tilespmem:$0x10];
	_ =	sdelay $0x4  }
0x35: {  	v33 =	vshll.u32 v3, $0x1  }
0x36: {  	v3 =	vand.u32 $0x7, v3;
	v4 =	vand.u32 $0xFFFFFFF0, v33  }
0x37: {  	v3 =	vor.u32 v3, v4  }
0x38: {  	v4 =	vperm.xlane v3, v0;
	_ =	sdelay $0x1  }
0x39: {  	v3 =	vperm.xlane v3, v2;
	v4 =	vadd.s32 v1, v4;
	_ =	sdelay $0x1  }
0x3a: {  	v3 =	vadd.s32 v1, v3;
	_ =	sdelay $0x2  }
0x3b: {  	[tilespmem:s9], [sflag:$0x1] =	stream.indirect_vreg.gather [hbm4b:s4+s2], $0x80, v4, vm0, $0xb8;
	[tilespmem:$0x18200] =	vst v63  }
0x3c: {  	_ = 	snop  }
0x3d: {  	[tilespmem:s10], [sflag:$0x1] =	stream.indirect_vreg.gather [hbm4b:s4+s2], $0x80, v3, vm0, $0xb8;
	[tilespmem:$0x18200] =	vst v63  }
0x3e: {  	v3 =	vld [tilespmem:$0x20];
	_ =	sdelay $0x4  }
0x3f: {  	v34 =	vshll.u32 v3, $0x1  }
0x40: {  	v3 =	vand.u32 $0x7, v3;
	v4 =	vand.u32 $0xFFFFFFF0, v34  }
0x41: {  	v3 =	vor.u32 v3, v4  }
0x42: {  	v4 =	vperm.xlane v3, v0;
	_ =	sdelay $0x1  }
0x43: {  	v3 =	vperm.xlane v3, v2;
	v4 =	vadd.s32 v1, v4;
	_ =	sdelay $0x1  }
0x44: {  	v3 =	vadd.s32 v1, v3;
	_ =	sdelay $0x2  }
0x45: {  	[tilespmem:s11], [sflag:$0x1] =	stream.indirect_vreg.gather [hbm4b:s4+s2], $0x80, v4, vm0, $0xb8;
	[tilespmem:$0x18200] =	vst v63  }
0x46: {  	_ = 	snop  }
0x47: {  	[tilespmem:s12], [sflag:$0x1] =	stream.indirect_vreg.gather [hbm4b:s4+s2], $0x80, v3, vm0, $0xb8;
	[tilespmem:$0x18200] =	vst v63  }
0x48: {  	v3 =	vld [tilespmem:$0x30];
	_ =	sdelay $0x4  }
0x49: {  	v35 =	vshll.u32 v3, $0x1  }
0x4a: {  	v3 =	vand.u32 $0x7, v3;
	v4 =	vand.u32 $0xFFFFFFF0, v35  }
0x4b: {  	v3 =	vor.u32 v3, v4  }
0x4c: {  	v4 =	vperm.xlane v3, v0;
	_ =	sdelay $0x1  }
0x4d: {  	v3 =	vperm.xlane v3, v2;
	v4 =	vadd.s32 v1, v4;
	_ =	sdelay $0x1  }
0x4e: {  	v3 =	vadd.s32 v1, v3;
	_ =	sdelay $0x2  }
0x4f: {  	[tilespmem:s13], [sflag:$0x1] =	stream.indirect_vreg.gather [hbm4b:s4+s2], $0x80, v4, vm0, $0xb8;
	[tilespmem:$0x18200] =	vst v63  }
0x50: {  	_ = 	snop  }
0x51: {  	[tilespmem:s14], [sflag:$0x1] =	stream.indirect_vreg.gather [hbm4b:s4+s2], $0x80, v3, vm0, $0xb8;
	[tilespmem:$0x18200] =	vst v63  }
0x52: {  	v3 =	vld [tilespmem:$0x40];
	_ =	sdelay $0x4  }
0x53: {  	v36 =	vshll.u32 v3, $0x1  }
0x54: {  	v3 =	vand.u32 $0x7, v3;
	v4 =	vand.u32 $0xFFFFFFF0, v36  }
0x55: {  	v3 =	vor.u32 v3, v4  }
0x56: {  	v4 =	vperm.xlane v3, v0;
	_ =	sdelay $0x1  }
0x57: {  	v3 =	vperm.xlane v3, v2;
	v4 =	vadd.s32 v1, v4;
	_ =	sdelay $0x1  }
0x58: {  	v3 =	vadd.s32 v1, v3;
	_ =	sdelay $0x2  }
0x59: {  	[tilespmem:s15], [sflag:$0x1] =	stream.indirect_vreg.gather [hbm4b:s4+s2], $0x80, v4, vm0, $0xb8;
	[tilespmem:$0x18200] =	vst v63  }
0x5a: {  	_ = 	snop  }
0x5b: {  	[tilespmem:s16], [sflag:$0x1] =	stream.indirect_vreg.gather [hbm4b:s4+s2], $0x80, v3, vm0, $0xb8;
	[tilespmem:$0x18200] =	vst v63  }
0x5c: {  	v3 =	vld [tilespmem:$0x50];
	_ =	sdelay $0x4  }
0x5d: {  	v37 =	vshll.u32 v3, $0x1  }
0x5e: {  	v3 =	vand.u32 $0x7, v3;
	v4 =	vand.u32 $0xFFFFFFF0, v37  }
0x5f: {  	v3 =	vor.u32 v3, v4  }
0x60: {  	v4 =	vperm.xlane v3, v0;
	_ =	sdelay $0x1  }
0x61: {  	v3 =	vperm.xlane v3, v2;
	v4 =	vadd.s32 v1, v4;
	_ =	sdelay $0x1  }
0x62: {  	v3 =	vadd.s32 v1, v3;
	_ =	sdelay $0x2  }
0x63: {  	[tilespmem:s17], [sflag:$0x1] =	stream.indirect_vreg.gather [hbm4b:s4+s2], $0x80, v4, vm0, $0xb8;
	[tilespmem:$0x18200] =	vst v63  }
0x64: {  	_ = 	snop  }
0x65: {  	[tilespmem:s18], [sflag:$0x1] =	stream.indirect_vreg.gather [hbm4b:s4+s2], $0x80, v3, vm0, $0xb8;
	[tilespmem:$0x18200] =	vst v63  }
0x66: {  	v3 =	vld [tilespmem:$0x60];
	_ =	sdelay $0x4  }
0x67: {  	v38 =	vshll.u32 v3, $0x1  }
0x68: {  	v3 =	vand.u32 $0x7, v3;
	v4 =	vand.u32 $0xFFFFFFF0, v38  }
0x69: {  	v3 =	vor.u32 v3, v4  }
0x6a: {  	v4 =	vperm.xlane v3, v0;
	_ =	sdelay $0x1  }
0x6b: {  	v3 =	vperm.xlane v3, v2;
	v4 =	vadd.s32 v1, v4;
	_ =	sdelay $0x1  }
0x6c: {  	v3 =	vadd.s32 v1, v3;
	_ =	sdelay $0x2  }
0x6d: {  	[tilespmem:s19], [sflag:$0x1] =	stream.indirect_vreg.gather [hbm4b:s4+s2], $0x80, v4, vm0, $0xb8;
	[tilespmem:$0x18200] =	vst v63  }
0x6e: {  	_ = 	snop  }
0x6f: {  	[tilespmem:s20], [sflag:$0x1] =	stream.indirect_vreg.gather [hbm4b:s4+s2], $0x80, v3, vm0, $0xb8;
	[tilespmem:$0x18200] =	vst v63  }
0x70: {  	v3 =	vld [tilespmem:$0x70];
	_ =	sdelay $0x4  }
0x71: {  	v39 =	vshll.u32 v3, $0x1  }
0x72: {  	v3 =	vand.u32 $0x7, v3;
	v4 =	vand.u32 $0xFFFFFFF0, v39  }
0x73: {  	v3 =	vor.u32 v3, v4  }
0x74: {  	v4 =	vperm.xlane v3, v0;
	_ =	sdelay $0x1  }
0x75: {  	v3 =	vperm.xlane v3, v2;
	v4 =	vadd.s32 v1, v4;
	_ =	sdelay $0x1  }
0x76: {  	v3 =	vadd.s32 v1, v3;
	_ =	sdelay $0x2  }
0x77: {  	[tilespmem:s21], [sflag:$0x1] =	stream.indirect_vreg.gather [hbm4b:s4+s2], $0x80, v4, vm0, $0xb8;
	[tilespmem:$0x18200] =	vst v63  }
0x78: {  	_ = 	snop  }
0x79: {  	[tilespmem:s22], [sflag:$0x1] =	stream.indirect_vreg.gather [hbm4b:s4+s2], $0x80, v3, vm0, $0xb8;
	[tilespmem:$0x18200] =	vst v63  }
0x7a: {  	v3 =	vld [tilespmem:$0x80];
	_ =	sdelay $0x4  }
0x7b: {  	v40 =	vshll.u32 v3, $0x1  }
0x7c: {  	v3 =	vand.u32 $0x7, v3;
	v4 =	vand.u32 $0xFFFFFFF0, v40  }
0x7d: {  	v3 =	vor.u32 v3, v4  }
0x7e: {  	v4 =	vperm.xlane v3, v0;
	_ =	sdelay $0x1  }
0x7f: {  	v3 =	vperm.xlane v3, v2;
	v4 =	vadd.s32 v1, v4;
	_ =	sdelay $0x1  }
0x80: {  	v3 =	vadd.s32 v1, v3;
	_ =	sdelay $0x2  }
0x81: {  	[tilespmem:s23], [sflag:$0x2] =	stream.indirect_vreg.gather [hbm4b:s4+s2], $0x80, v4, vm0, $0xb8;
	[tilespmem:$0x18200] =	vst v63  }
0x82: {  	s25 =	rddreg [dreg:$0x7]  }
0x83: {  	[tilespmem:s25], [sflag:$0x2] =	stream.indirect_vreg.gather [hbm4b:s4+s2], $0x80, v3, vm0, $0xb8;
	[tilespmem:$0x18200] =	vst v63  }
0x84: {  	v3 =	vld [tilespmem:$0x90];
	_ =	sdelay $0x4  }
0x85: {  	v41 =	vshll.u32 v3, $0x1  }
0x86: {  	v3 =	vand.u32 $0x7, v3;
	v4 =	vand.u32 $0xFFFFFFF0, v41  }
0x87: {  	v3 =	vor.u32 v3, v4  }
0x88: {  	v4 =	vperm.xlane v3, v0;
	_ =	sdelay $0x1  }
0x89: {  	v3 =	vperm.xlane v3, v2;
	v4 =	vadd.s32 v1, v4;
	_ =	sdelay $0x1  }
0x8a: {  	v3 =	vadd.s32 v1, v3;
	_ =	sdelay $0x1  }
0x8b: {  	s0 =	rddreg [dreg:$0x8]  }
0x8c: {  	[tilespmem:s0], [sflag:$0x2] =	stream.indirect_vreg.gather [hbm4b:s4+s2], $0x80, v4, vm0, $0xb8;
	[tilespmem:$0x18200] =	vst v63  }
0x8d: {  	s25 =	rddreg [dreg:$0x9]  }
0x8e: {  	[tilespmem:s25], [sflag:$0x2] =	stream.indirect_vreg.gather [hbm4b:s4+s2], $0x80, v3, vm0, $0xb8;
	[tilespmem:$0x18200] =	vst v63  }
0x8f: {  	v3 =	vld [tilespmem:$0xA0];
	_ =	sdelay $0x4  }
0x90: {  	v42 =	vshll.u32 v3, $0x1  }
0x91: {  	v3 =	vand.u32 $0x7, v3;
	v4 =	vand.u32 $0xFFFFFFF0, v42  }
0x92: {  	v3 =	vor.u32 v3, v4  }
0x93: {  	v4 =	vperm.xlane v3, v0;
	_ =	sdelay $0x1  }
0x94: {  	v3 =	vperm.xlane v3, v2;
	v4 =	vadd.s32 v1, v4;
	_ =	sdelay $0x1  }
0x95: {  	v3 =	vadd.s32 v1, v3;
	_ =	sdelay $0x1  }
0x96: {  	s0 =	rddreg [dreg:$0xa]  }
0x97: {  	[tilespmem:s0], [sflag:$0x2] =	stream.indirect_vreg.gather [hbm4b:s4+s2], $0x80, v4, vm0, $0xb8;
	[tilespmem:$0x18200] =	vst v63  }
0x98: {  	s25 =	rddreg [dreg:$0xb]  }
0x99: {  	[tilespmem:s25], [sflag:$0x2] =	stream.indirect_vreg.gather [hbm4b:s4+s2], $0x80, v3, vm0, $0xb8;
	[tilespmem:$0x18200] =	vst v63  }
0x9a: {  	v3 =	vld [tilespmem:$0xB0];
	_ =	sdelay $0x4  }
0x9b: {  	v43 =	vshll.u32 v3, $0x1  }
0x9c: {  	v3 =	vand.u32 $0x7, v3;
	v4 =	vand.u32 $0xFFFFFFF0, v43  }
0x9d: {  	v3 =	vor.u32 v3, v4  }
0x9e: {  	v4 =	vperm.xlane v3, v0;
	_ =	sdelay $0x1  }
0x9f: {  	v3 =	vperm.xlane v3, v2;
	v4 =	vadd.s32 v1, v4;
	_ =	sdelay $0x1  }
0xa0: {  	v3 =	vadd.s32 v1, v3;
	_ =	sdelay $0x1  }
0xa1: {  	s0 =	rddreg [dreg:$0xc]  }
0xa2: {  	[tilespmem:s0], [sflag:$0x2] =	stream.indirect_vreg.gather [hbm4b:s4+s2], $0x80, v4, vm0, $0xb8;
	[tilespmem:$0x18200] =	vst v63  }
0xa3: {  	s25 =	rddreg [dreg:$0xd]  }
0xa4: {  	[tilespmem:s25], [sflag:$0x2] =	stream.indirect_vreg.gather [hbm4b:s4+s2], $0x80, v3, vm0, $0xb8;
	[tilespmem:$0x18200] =	vst v63  }
0xa5: {  	v3 =	vld [tilespmem:$0xC0];
	_ =	sdelay $0x4  }
0xa6: {  	v44 =	vshll.u32 v3, $0x1  }
0xa7: {  	v3 =	vand.u32 $0x7, v3;
	v4 =	vand.u32 $0xFFFFFFF0, v44  }
0xa8: {  	v3 =	vor.u32 v3, v4  }
0xa9: {  	v4 =	vperm.xlane v3, v0;
	_ =	sdelay $0x1  }
0xaa: {  	v3 =	vperm.xlane v3, v2;
	v4 =	vadd.s32 v1, v4;
	_ =	sdelay $0x1  }
0xab: {  	v3 =	vadd.s32 v1, v3;
	_ =	sdelay $0x1  }
0xac: {  	s0 =	rddreg [dreg:$0xe]  }
0xad: {  	[tilespmem:s0], [sflag:$0x2] =	stream.indirect_vreg.gather [hbm4b:s4+s2], $0x80, v4, vm0, $0xb8;
	[tilespmem:$0x18200] =	vst v63  }
0xae: {  	s25 =	rddreg [dreg:$0xf]  }
0xaf: {  	[tilespmem:s25], [sflag:$0x2] =	stream.indirect_vreg.gather [hbm4b:s4+s2], $0x80, v3, vm0, $0xb8;
	[tilespmem:$0x18200] =	vst v63  }
0xb0: {  	v3 =	vld [tilespmem:$0xD0];
	_ =	sdelay $0x4  }
0xb1: {  	v45 =	vshll.u32 v3, $0x1  }
0xb2: {  	v3 =	vand.u32 $0x7, v3;
	v4 =	vand.u32 $0xFFFFFFF0, v45  }
0xb3: {  	v3 =	vor.u32 v3, v4  }
0xb4: {  	v4 =	vperm.xlane v3, v0;
	_ =	sdelay $0x1  }
0xb5: {  	v3 =	vperm.xlane v3, v2;
	v4 =	vadd.s32 v1, v4;
	_ =	sdelay $0x1  }
0xb6: {  	v3 =	vadd.s32 v1, v3;
	_ =	sdelay $0x1  }
0xb7: {  	s0 =	rddreg [dreg:$0x10]  }
0xb8: {  	[tilespmem:s0], [sflag:$0x2] =	stream.indirect_vreg.gather [hbm4b:s4+s2], $0x80, v4, vm0, $0xb8;
	[tilespmem:$0x18200] =	vst v63  }
0xb9: {  	s25 =	rddreg [dreg:$0x11]  }
0xba: {  	[tilespmem:s25], [sflag:$0x2] =	stream.indirect_vreg.gather [hbm4b:s4+s2], $0x80, v3, vm0, $0xb8;
	[tilespmem:$0x18200] =	vst v63  }
0xbb: {  	v3 =	vld [tilespmem:$0xE0];
	_ =	sdelay $0x4  }
0xbc: {  	v46 =	vshll.u32 v3, $0x1  }
0xbd: {  	v3 =	vand.u32 $0x7, v3;
	v4 =	vand.u32 $0xFFFFFFF0, v46  }
0xbe: {  	v3 =	vor.u32 v3, v4  }
0xbf: {  	v4 =	vperm.xlane v3, v0;
	_ =	sdelay $0x1  }
0xc0: {  	v3 =	vperm.xlane v3, v2;
	v4 =	vadd.s32 v1, v4;
	_ =	sdelay $0x1  }
0xc1: {  	v3 =	vadd.s32 v1, v3;
	_ =	sdelay $0x1  }
0xc2: {  	s0 =	rddreg [dreg:$0x12]  }
0xc3: {  	[tilespmem:s0], [sflag:$0x2] =	stream.indirect_vreg.gather [hbm4b:s4+s2], $0x80, v4, vm0, $0xb8;
	[tilespmem:$0x18200] =	vst v63  }
0xc4: {  	s25 =	rddreg [dreg:$0x13]  }
0xc5: {  	[tilespmem:s25], [sflag:$0x2] =	stream.indirect_vreg.gather [hbm4b:s4+s2], $0x80, v3, vm0, $0xb8;
	[tilespmem:$0x18200] =	vst v63  }
0xc6: {  	v3 =	vld [tilespmem:$0xF0];
	_ =	sdelay $0x4  }
0xc7: {  	v47 =	vshll.u32 v3, $0x1  }
0xc8: {  	v3 =	vand.u32 $0x7, v3;
	v4 =	vand.u32 $0xFFFFFFF0, v47  }
0xc9: {  	v3 =	vor.u32 v3, v4  }
0xca: {  	v4 =	vperm.xlane v3, v0;
	_ =	sdelay $0x1  }
0xcb: {  	v3 =	vperm.xlane v3, v2;
	v4 =	vadd.s32 v1, v4;
	_ =	sdelay $0x1  }
0xcc: {  	v3 =	vadd.s32 v1, v3;
	_ =	sdelay $0x1  }
0xcd: {  	s0 =	rddreg [dreg:$0x14]  }
0xce: {  	[tilespmem:s0], [sflag:$0x2] =	stream.indirect_vreg.gather [hbm4b:s4+s2], $0x80, v4, vm0, $0xb8;
	[tilespmem:$0x18200] =	vst v63  }
0xcf: {  	s25 =	rddreg [dreg:$0x15]  }
0xd0: {  	[tilespmem:s25], [sflag:$0x2] =	stream.indirect_vreg.gather [hbm4b:s4+s2], $0x80, v3, vm0, $0xb8;
	[tilespmem:$0x18200] =	vst v63  }
0xd1: {  	v3 =	vld [tilespmem:$0x100];
	_ =	sdelay $0x4  }
0xd2: {  	v48 =	vshll.u32 v3, $0x1  }
0xd3: {  	v3 =	vand.u32 $0x7, v3;
	v4 =	vand.u32 $0xFFFFFFF0, v48  }
0xd4: {  	v3 =	vor.u32 v3, v4  }
0xd5: {  	v4 =	vperm.xlane v3, v0;
	_ =	sdelay $0x1  }
0xd6: {  	v3 =	vperm.xlane v3, v2;
	v4 =	vadd.s32 v1, v4;
	_ =	sdelay $0x1  }
0xd7: {  	v3 =	vadd.s32 v1, v3;
	_ =	sdelay $0x2  }
0xd8: {  	[tilespmem:s24], [sflag:$0x3] =	stream.indirect_vreg.gather [hbm4b:s4+s2], $0x80, v4, vm0, $0xb8;
	[tilespmem:$0x18200] =	vst v63  }
0xd9: {  	s25 =	rddreg [dreg:$0x16]  }
0xda: {  	[tilespmem:s25], [sflag:$0x3] =	stream.indirect_vreg.gather [hbm4b:s4+s2], $0x80, v3, vm0, $0xb8;
	[tilespmem:$0x18200] =	vst v63  }
0xdb: {  	v3 =	vld [tilespmem:$0x110];
	_ =	sdelay $0x4  }
0xdc: {  	v49 =	vshll.u32 v3, $0x1  }
0xdd: {  	v3 =	vand.u32 $0x7, v3;
	v4 =	vand.u32 $0xFFFFFFF0, v49  }
0xde: {  	v3 =	vor.u32 v3, v4  }
0xdf: {  	v4 =	vperm.xlane v3, v0;
	_ =	sdelay $0x1  }
0xe0: {  	v3 =	vperm.xlane v3, v2;
	v4 =	vadd.s32 v1, v4;
	_ =	sdelay $0x1  }
0xe1: {  	v3 =	vadd.s32 v1, v3;
	_ =	sdelay $0x1  }
0xe2: {  	s0 =	rddreg [dreg:$0x17]  }
0xe3: {  	[tilespmem:s0], [sflag:$0x3] =	stream.indirect_vreg.gather [hbm4b:s4+s2], $0x80, v4, vm0, $0xb8;
	[tilespmem:$0x18200] =	vst v63  }
0xe4: {  	s25 =	rddreg [dreg:$0x18]  }
0xe5: {  	[tilespmem:s25], [sflag:$0x3] =	stream.indirect_vreg.gather [hbm4b:s4+s2], $0x80, v3, vm0, $0xb8;
	[tilespmem:$0x18200] =	vst v63  }
0xe6: {  	v3 =	vld [tilespmem:$0x120];
	_ =	sdelay $0x4  }
0xe7: {  	v50 =	vshll.u32 v3, $0x1  }
0xe8: {  	v3 =	vand.u32 $0x7, v3;
	v4 =	vand.u32 $0xFFFFFFF0, v50  }
0xe9: {  	v3 =	vor.u32 v3, v4  }
0xea: {  	v4 =	vperm.xlane v3, v0;
	_ =	sdelay $0x1  }
0xeb: {  	v3 =	vperm.xlane v3, v2;
	v4 =	vadd.s32 v1, v4;
	_ =	sdelay $0x1  }
0xec: {  	v3 =	vadd.s32 v1, v3;
	_ =	sdelay $0x1  }
0xed: {  	s0 =	rddreg [dreg:$0x19]  }
0xee: {  	[tilespmem:s0], [sflag:$0x3] =	stream.indirect_vreg.gather [hbm4b:s4+s2], $0x80, v4, vm0, $0xb8;
	[tilespmem:$0x18200] =	vst v63  }
0xef: {  	s25 =	rddreg [dreg:$0x1a]  }
0xf0: {  	[tilespmem:s25], [sflag:$0x3] =	stream.indirect_vreg.gather [hbm4b:s4+s2], $0x80, v3, vm0, $0xb8;
	[tilespmem:$0x18200] =	vst v63  }
0xf1: {  	v3 =	vld [tilespmem:$0x130];
	_ =	sdelay $0x4  }
0xf2: {  	v51 =	vshll.u32 v3, $0x1  }
0xf3: {  	v3 =	vand.u32 $0x7, v3;
	v4 =	vand.u32 $0xFFFFFFF0, v51  }
0xf4: {  	v3 =	vor.u32 v3, v4  }
0xf5: {  	v4 =	vperm.xlane v3, v0;
	_ =	sdelay $0x1  }
0xf6: {  	v3 =	vperm.xlane v3, v2;
	v4 =	vadd.s32 v1, v4;
	_ =	sdelay $0x1  }
0xf7: {  	v3 =	vadd.s32 v1, v3;
	_ =	sdelay $0x1  }
0xf8: {  	s0 =	rddreg [dreg:$0x1b]  }
0xf9: {  	[tilespmem:s0], [sflag:$0x3] =	stream.indirect_vreg.gather [hbm4b:s4+s2], $0x80, v4, vm0, $0xb8;
	[tilespmem:$0x18200] =	vst v63  }
0xfa: {  	s25 =	rddreg [dreg:$0x1c]  }
0xfb: {  	[tilespmem:s25], [sflag:$0x3] =	stream.indirect_vreg.gather [hbm4b:s4+s2], $0x80, v3, vm0, $0xb8;
	[tilespmem:$0x18200] =	vst v63  }
0xfc: {  	v3 =	vld [tilespmem:$0x140];
	_ =	sdelay $0x4  }
0xfd: {  	v52 =	vshll.u32 v3, $0x1  }
0xfe: {  	v3 =	vand.u32 $0x7, v3;
	v4 =	vand.u32 $0xFFFFFFF0, v52  }
0xff: {  	v3 =	vor.u32 v3, v4  }
0x100: {  	v4 =	vperm.xlane v3, v0;
	_ =	sdelay $0x1  }
0x101: {  	v3 =	vperm.xlane v3, v2;
	v4 =	vadd.s32 v1, v4;
	_ =	sdelay $0x1  }
0x102: {  	v3 =	vadd.s32 v1, v3;
	_ =	sdelay $0x1  }
0x103: {  	s0 =	rddreg [dreg:$0x1d]  }
0x104: {  	[tilespmem:s0], [sflag:$0x3] =	stream.indirect_vreg.gather [hbm4b:s4+s2], $0x80, v4, vm0, $0xb8;
	[tilespmem:$0x18200] =	vst v63  }
0x105: {  	s25 =	rddreg [dreg:$0x1e]  }
0x106: {  	[tilespmem:s25], [sflag:$0x3] =	stream.indirect_vreg.gather [hbm4b:s4+s2], $0x80, v3, vm0, $0xb8;
	[tilespmem:$0x18200] =	vst v63  }
0x107: {  	v3 =	vld [tilespmem:$0x150];
	_ =	sdelay $0x4  }
0x108: {  	v53 =	vshll.u32 v3, $0x1  }
0x109: {  	v3 =	vand.u32 $0x7, v3;
	v4 =	vand.u32 $0xFFFFFFF0, v53  }
0x10a: {  	v3 =	vor.u32 v3, v4  }
0x10b: {  	v4 =	vperm.xlane v3, v0;
	_ =	sdelay $0x1  }
0x10c: {  	v3 =	vperm.xlane v3, v2;
	v4 =	vadd.s32 v1, v4;
	_ =	sdelay $0x1  }
0x10d: {  	v3 =	vadd.s32 v1, v3  }
0x10e: {  	s0 =	rddreg [dreg:$0x1f]  }
0x10f: {  	s25 =	sld [smem:$0x7FD]  }
0x110: {  	[tilespmem:s0], [sflag:$0x3] =	stream.indirect_vreg.gather [hbm4b:s4+s2], $0x80, v4, vm0, $0xb8;
	[tilespmem:$0x18200] =	vst v63  }
0x111: {  	_ = 	snop  }
0x112: {  	[tilespmem:s25], [sflag:$0x3] =	stream.indirect_vreg.gather [hbm4b:s4+s2], $0x80, v3, vm0, $0xb8;
	[tilespmem:$0x18200] =	vst v63  }
0x113: {  	v3 =	vld [tilespmem:$0x160];
	_ =	sdelay $0x4  }
0x114: {  	v54 =	vshll.u32 v3, $0x1  }
0x115: {  	v3 =	vand.u32 $0x7, v3;
	v4 =	vand.u32 $0xFFFFFFF0, v54  }
0x116: {  	v3 =	vor.u32 v3, v4  }
0x117: {  	v4 =	vperm.xlane v3, v0;
	_ =	sdelay $0x1  }
0x118: {  	v3 =	vperm.xlane v3, v2;
	v4 =	vadd.s32 v1, v4;
	_ =	sdelay $0x1  }
0x119: {  	v3 =	vadd.s32 v1, v3;
	_ =	sdelay $0x1  }
0x11a: {  	s25 =	simm.s32 $0x16200  }
0x11b: {  	[tilespmem:s25], [sflag:$0x3] =	stream.indirect_vreg.gather [hbm4b:s4+s2], $0x80, v4, vm0, $0xb8;
	[tilespmem:$0x18200] =	vst v63  }
0x11c: {  	_ = 	snop  }
0x11d: {  	[tilespmem:s26], [sflag:$0x3] =	stream.indirect_vreg.gather [hbm4b:s4+s2], $0x80, v3, vm0, $0xb8;
	[tilespmem:$0x18200] =	vst v63  }
0x11e: {  	v3 =	vld [tilespmem:$0x170];
	_ =	sdelay $0x4  }
0x11f: {  	v55 =	vshll.u32 v3, $0x1  }
0x120: {  	v3 =	vand.u32 $0x7, v3;
	v4 =	vand.u32 $0xFFFFFFF0, v55  }
0x121: {  	v3 =	vor.u32 v3, v4  }
0x122: {  	v4 =	vperm.xlane v3, v0;
	_ =	sdelay $0x1  }
0x123: {  	v3 =	vperm.xlane v3, v2;
	v4 =	vadd.s32 v1, v4;
	_ =	sdelay $0x1  }
0x124: {  	v3 =	vadd.s32 v1, v3;
	_ =	sdelay $0x2  }
0x125: {  	[tilespmem:s28], [sflag:$0x3] =	stream.indirect_vreg.gather [hbm4b:s4+s2], $0x80, v4, vm0, $0xb8;
	[tilespmem:$0x18200] =	vst v63  }
0x126: {  	_ = 	snop  }
0x127: {  	[tilespmem:s29], [sflag:$0x3] =	stream.indirect_vreg.gather [hbm4b:s4+s2], $0x80, v3, vm0, $0xb8;
	[tilespmem:$0x18200] =	vst v63  }
0x128: {  	_ =	swait.ge [sflag:s30], $0x8000  }
0x129: {  	[sflag:s30] =	ssyncset.done $0x0  }
0x12a: {  	[sflag:s30] =	ssyncadd.s32 $0xFFFF8000  }
0x12b: {  	[hbm4b:s3+s2] =	stream.linear.scatter [tilespmem:s7], [sflag:$0x4], $0x8000, $0x38;
	[tilespmem:$0x18200] =	vst v63  }
0x12c: {  	_ =	swait.ge [sflag:s6], $0x8000  }
0x12d: {  	[sflag:s6] =	ssyncset.done $0x0  }
0x12e: {  	[sflag:s6] =	ssyncadd.s32 $0xFFFF8000  }
0x12f: {  	v3 =	vld [tilespmem:$0x180];
	_ =	sdelay $0x4  }
0x130: {  	v56 =	vshll.u32 v3, $0x1  }
0x131: {  	v3 =	vand.u32 $0x7, v3;
	v4 =	vand.u32 $0xFFFFFFF0, v56  }
0x132: {  	v3 =	vor.u32 v3, v4  }
0x133: {  	v4 =	vperm.xlane v3, v0;
	_ =	sdelay $0x1  }
0x134: {  	v3 =	vperm.xlane v3, v2;
	v4 =	vadd.s32 v1, v4;
	_ =	sdelay $0x1  }
0x135: {  	v3 =	vadd.s32 v1, v3;
	_ =	sdelay $0x2  }
0x136: {  	[tilespmem:s7], [sflag:$0x1] =	stream.indirect_vreg.gather [hbm4b:s4+s2], $0x80, v4, vm0, $0xb8;
	[tilespmem:$0x18200] =	vst v63  }
0x137: {  	_ = 	snop  }
0x138: {  	[tilespmem:s8], [sflag:$0x1] =	stream.indirect_vreg.gather [hbm4b:s4+s2], $0x80, v3, vm0, $0xb8;
	[tilespmem:$0x18200] =	vst v63  }
0x139: {  	v3 =	vld [tilespmem:$0x190];
	_ =	sdelay $0x4  }
0x13a: {  	v57 =	vshll.u32 v3, $0x1  }
0x13b: {  	v3 =	vand.u32 $0x7, v3;
	v4 =	vand.u32 $0xFFFFFFF0, v57  }
0x13c: {  	v3 =	vor.u32 v3, v4  }
0x13d: {  	v4 =	vperm.xlane v3, v0;
	_ =	sdelay $0x1  }
0x13e: {  	v3 =	vperm.xlane v3, v2;
	v4 =	vadd.s32 v1, v4;
	_ =	sdelay $0x1  }
0x13f: {  	v3 =	vadd.s32 v1, v3;
	_ =	sdelay $0x2  }
0x140: {  	[tilespmem:s9], [sflag:$0x1] =	stream.indirect_vreg.gather [hbm4b:s4+s2], $0x80, v4, vm0, $0xb8;
	[tilespmem:$0x18200] =	vst v63  }
0x141: {  	_ = 	snop  }
0x142: {  	[tilespmem:s10], [sflag:$0x1] =	stream.indirect_vreg.gather [hbm4b:s4+s2], $0x80, v3, vm0, $0xb8;
	[tilespmem:$0x18200] =	vst v63  }
0x143: {  	v3 =	vld [tilespmem:$0x1A0];
	_ =	sdelay $0x4  }
0x144: {  	v58 =	vshll.u32 v3, $0x1  }
0x145: {  	v3 =	vand.u32 $0x7, v3;
	v4 =	vand.u32 $0xFFFFFFF0, v58  }
0x146: {  	v3 =	vor.u32 v3, v4  }
0x147: {  	v4 =	vperm.xlane v3, v0;
	_ =	sdelay $0x1  }
0x148: {  	v3 =	vperm.xlane v3, v2;
	v4 =	vadd.s32 v1, v4;
	_ =	sdelay $0x1  }
0x149: {  	v3 =	vadd.s32 v1, v3;
	_ =	sdelay $0x2  }
0x14a: {  	[tilespmem:s11], [sflag:$0x1] =	stream.indirect_vreg.gather [hbm4b:s4+s2], $0x80, v4, vm0, $0xb8;
	[tilespmem:$0x18200] =	vst v63  }
0x14b: {  	_ = 	snop  }
0x14c: {  	[tilespmem:s12], [sflag:$0x1] =	stream.indirect_vreg.gather [hbm4b:s4+s2], $0x80, v3, vm0, $0xb8;
	[tilespmem:$0x18200] =	vst v63  }
0x14d: {  	v3 =	vld [tilespmem:$0x1B0];
	_ =	sdelay $0x4  }
0x14e: {  	v59 =	vshll.u32 v3, $0x1  }
0x14f: {  	v3 =	vand.u32 $0x7, v3;
	v4 =	vand.u32 $0xFFFFFFF0, v59  }
0x150: {  	v3 =	vor.u32 v3, v4  }
0x151: {  	v4 =	vperm.xlane v3, v0;
	_ =	sdelay $0x1  }
0x152: {  	v3 =	vperm.xlane v3, v2;
	v4 =	vadd.s32 v1, v4;
	_ =	sdelay $0x1  }
0x153: {  	v3 =	vadd.s32 v1, v3;
	_ =	sdelay $0x2  }
0x154: {  	[tilespmem:s13], [sflag:$0x1] =	stream.indirect_vreg.gather [hbm4b:s4+s2], $0x80, v4, vm0, $0xb8;
	[tilespmem:$0x18200] =	vst v63  }
0x155: {  	_ = 	snop  }
0x156: {  	[tilespmem:s14], [sflag:$0x1] =	stream.indirect_vreg.gather [hbm4b:s4+s2], $0x80, v3, vm0, $0xb8;
	[tilespmem:$0x18200] =	vst v63  }
0x157: {  	v3 =	vld [tilespmem:$0x1C0];
	_ =	sdelay $0x4  }
0x158: {  	v60 =	vshll.u32 v3, $0x1  }
0x159: {  	v3 =	vand.u32 $0x7, v3;
	v4 =	vand.u32 $0xFFFFFFF0, v60  }
0x15a: {  	v3 =	vor.u32 v3, v4  }
0x15b: {  	v4 =	vperm.xlane v3, v0;
	_ =	sdelay $0x1  }
0x15c: {  	v3 =	vperm.xlane v3, v2;
	v4 =	vadd.s32 v1, v4;
	_ =	sdelay $0x1  }
0x15d: {  	v3 =	vadd.s32 v1, v3;
	_ =	sdelay $0x2  }
0x15e: {  	[tilespmem:s15], [sflag:$0x1] =	stream.indirect_vreg.gather [hbm4b:s4+s2], $0x80, v4, vm0, $0xb8;
	[tilespmem:$0x18200] =	vst v63  }
0x15f: {  	_ = 	snop  }
0x160: {  	[tilespmem:s16], [sflag:$0x1] =	stream.indirect_vreg.gather [hbm4b:s4+s2], $0x80, v3, vm0, $0xb8;
	[tilespmem:$0x18200] =	vst v63  }
0x161: {  	v3 =	vld [tilespmem:$0x1D0];
	_ =	sdelay $0x4  }
0x162: {  	v61 =	vshll.u32 v3, $0x1  }
0x163: {  	v3 =	vand.u32 $0x7, v3;
	v4 =	vand.u32 $0xFFFFFFF0, v61  }
0x164: {  	v3 =	vor.u32 v3, v4  }
0x165: {  	v4 =	vperm.xlane v3, v0;
	_ =	sdelay $0x1  }
0x166: {  	v3 =	vperm.xlane v3, v2;
	v4 =	vadd.s32 v1, v4;
	_ =	sdelay $0x1  }
0x167: {  	v3 =	vadd.s32 v1, v3;
	_ =	sdelay $0x2  }
0x168: {  	[tilespmem:s17], [sflag:$0x1] =	stream.indirect_vreg.gather [hbm4b:s4+s2], $0x80, v4, vm0, $0xb8;
	[tilespmem:$0x18200] =	vst v63  }
0x169: {  	_ = 	snop  }
0x16a: {  	[tilespmem:s18], [sflag:$0x1] =	stream.indirect_vreg.gather [hbm4b:s4+s2], $0x80, v3, vm0, $0xb8;
	[tilespmem:$0x18200] =	vst v63  }
0x16b: {  	v3 =	vld [tilespmem:$0x1E0];
	_ =	sdelay $0x4  }
0x16c: {  	v62 =	vshll.u32 v3, $0x1  }
0x16d: {  	v3 =	vand.u32 $0x7, v3;
	v4 =	vand.u32 $0xFFFFFFF0, v62  }
0x16e: {  	v3 =	vor.u32 v3, v4  }
0x16f: {  	v4 =	vperm.xlane v3, v0;
	_ =	sdelay $0x1  }
0x170: {  	v3 =	vperm.xlane v3, v2;
	v4 =	vadd.s32 v1, v4;
	_ =	sdelay $0x1  }
0x171: {  	v3 =	vadd.s32 v1, v3;
	_ =	sdelay $0x2  }
0x172: {  	[tilespmem:s19], [sflag:$0x1] =	stream.indirect_vreg.gather [hbm4b:s4+s2], $0x80, v4, vm0, $0xb8;
	[tilespmem:$0x18200] =	vst v63  }
0x173: {  	_ = 	snop  }
0x174: {  	[tilespmem:s20], [sflag:$0x1] =	stream.indirect_vreg.gather [hbm4b:s4+s2], $0x80, v3, vm0, $0xb8;
	[tilespmem:$0x18200] =	vst v63  }
0x175: {  	v3 =	vld [tilespmem:$0x1F0];
	_ =	sdelay $0x4  }
0x176: {  	v63 =	vshll.u32 v3, $0x1  }
0x177: {  	v3 =	vand.u32 $0x7, v3;
	v4 =	vand.u32 $0xFFFFFFF0, v63  }
0x178: {  	v3 =	vor.u32 v3, v4  }
0x179: {  	v4 =	vperm.xlane v3, v0;
	_ =	sdelay $0x1  }
0x17a: {  	v3 =	vperm.xlane v3, v2;
	v4 =	vadd.s32 v1, v4;
	_ =	sdelay $0x1  }
0x17b: {  	v3 =	vadd.s32 v1, v3;
	_ =	sdelay $0x2  }
0x17c: {  	[tilespmem:s21], [sflag:$0x1] =	stream.indirect_vreg.gather [hbm4b:s4+s2], $0x80, v4, vm0, $0xb8;
	[tilespmem:$0x18200] =	vst v63  }
0x17d: {  	_ = 	snop  }
0x17e: {  	[tilespmem:s22], [sflag:$0x1] =	stream.indirect_vreg.gather [hbm4b:s4+s2], $0x80, v3, vm0, $0xb8;
	[tilespmem:$0x18200] =	vst v63  }
0x17f: {  	_ =	swait.ge [sflag:s31], $0x8000  }
0x180: {  	[sflag:s31] =	ssyncset.done $0x0  }
0x181: {  	s25 =	rddreg [dreg:$0x4];
	[sflag:s31] =	ssyncadd.s32 $0xFFFF8000  }
0x182: {  	[hbm4b:s25+s2] =	stream.linear.scatter [tilespmem:s23], [sflag:$0x4], $0x8000, $0x38;
	[tilespmem:$0x18200] =	vst v63  }
0x183: {  	_ =	swait.ge [sflag:s6], $0x8000  }
0x184: {  	[sflag:s6] =	ssyncset.done $0x0  }
0x185: {  	[sflag:s6] =	ssyncadd.s32 $0xFFFF8000  }
0x186: {  	_ =	swait.ge [sflag:s1], $0x8000  }
0x187: {  	[sflag:s1] =	ssyncset.done $0x0  }
0x188: {  	s25 =	rddreg [dreg:$0x5];
	[sflag:s1] =	ssyncadd.s32 $0xFFFF8000  }
0x189: {  	[hbm4b:s25+s2] =	stream.linear.scatter [tilespmem:s24], [sflag:$0x4], $0x8000, $0x38;
	[tilespmem:$0x18200] =	vst v63  }
0x18a: {  	_ =	swait.ge [sflag:s6], $0x8000  }
0x18b: {  	[sflag:s6] =	ssyncset.done $0x0  }
0x18c: {  	[sflag:s6] =	ssyncadd.s32 $0xFFFF8000  }
0x18d: {  	_ =	swait.ge [sflag:s30], $0x8000  }
0x18e: {  	p0 =	sne.s32 s5, $0x1;
	[sflag:s30] =	ssyncset.done $0x0  }
.Ltmp0:
0x18f: {  	s25 =	rddreg [dreg:$0x6];
	[sflag:s30] =	ssyncadd.s32 $0xFFFF8000;
	(pc) =	sbr.rel @p0 .LBB2_1-.Ltmp0, $4  }
0x190: {  	[hbm4b:s25+s2] =	stream.linear.scatter [tilespmem:s7], [sflag:$0x4], $0x8000, $0x38;
	[tilespmem:$0x18200] =	vst v63  }
0x191: {  	_ =	swait.ge [sflag:s6], $0x8000  }
0x192: {  	[sflag:s6] =	ssyncset.done $0x0  }
0x193: {  	s5 =	sadd.s32 $0xFFFFFFFF, s5;
	[sflag:s6] =	ssyncadd.s32 $0xFFFF8000  }
0x194: {  	_ =	sfence.sel $0x180000  }
0x195: {  	[bflag:$0x0] =	sbarrier.arrive $0xFFFF  }
0x196: {  	_ =	strace $0x90000047  }
0x197: {  	s0 =	stileid.u32;
	[bflag:$0x2] =	sbarrier.arrive $0xFFFF  }
0x198: {  	p0 =	sne.s32 s0, $0x0;
	s0 =	rddreg [dreg:$0x2]  }
0x199: {  	s0 =	sadd.s32 @!p0 $0x100000, s0  }
0x19a: {  	[sflag:s0] =	ssyncadd.tile.s32 @!p0 $0x1;
	_ =	shalt  }
.Lfunc_end2:
_tile_overlayer_lowered:
.L_overlay_start_2:
0x19b: {  	(tag) =	ssettag $0x2  }
0x19c: {  	s0 =	rddreg [dreg:$0x0];
	s2 =	stileid.u32  }
0x19d: {  	s1 =	rddreg [dreg:$0x1];
	p0 =	sne.s32 s2, $0x0  }
0x19e: {  	s3 =	rddreg [dreg:$0x2];
	[bflag:$0x3] =	sbarrier.arrive $0xFFFF;
	s2 =	simm.s32 @!p0 $0x1C04  }
0x19f: {  	[timem:s3], [sflag:s2] =	dma.local @!p0 [hbm:s0], s1  }
0x1a0: {  	s0 =	simm.s32 @!p0 $0x4  }
0x1a1: {  	_ =	swait.ge @!p0 [sflag:s0], s1  }
0x1a2: {  	s1 =	ssub.s32 @!p0 $0x0, s1;
	[sflag:s0] =	ssyncset.done @!p0 $0x0  }
0x1a3: {  	[sflag:s0] =	ssyncadd.s32 @!p0 s1  }
0x1a4: {  	[bflag:$0x3] =	sbarrier.arrive $0xFFFF  }
0x1a5: {  	_ =	shalt  }

</sc_bundles>
